<compile_context>
chip_gen: v7x
topology: tpu7x:2x2x1
jax: 0.10.2.dev20260603
libtpu: 0.0.44.dev20260713+nightly
codegen_flags: <defaults>
</compile_context>

<pallas_src>
import functools

import jax
import jax.numpy as jnp
from jax import lax
from jax.experimental import pallas as pl
from jax.experimental.pallas import tpu as pltpu
from jax.experimental.pallas import tpu_sc as plsc

N_NODES = 10000
N_EDGES = 320000
D_FEAT = 128
PHASE_DIM = 128

_INFO = plsc.get_sparse_core_info()
_NC = _INFO.num_cores
_NS = _INFO.num_subcores
_L = _INFO.num_lanes
_NW = _NC * _NS
_EPW = N_EDGES // _NW
_C = 128
_NFULL = _EPW // _C
_TAIL = _EPW - _NFULL * _C
_NB = PHASE_DIM // _L


def _body(table, comp, edges, rel, out1, out2,
          idx1_v, idx0_v, comp_v, rel_v, r1a, r2a, r1b, r2b,
          gsa, gsb, wsa, wsb):
    w = lax.axis_index("s") * _NC + lax.axis_index("c")
    base = w * _EPW
    pltpu.sync_copy(edges.at[pl.ds(N_EDGES + base, _EPW)], idx1_v)
    pltpu.sync_copy(edges.at[pl.ds(base, _EPW)], idx0_v)
    pltpu.sync_copy(comp.at[pl.ds(base, _EPW)], comp_v)
    pltpu.sync_copy(rel, rel_v)

    r0s = [rel_v[pl.ds(b * _L, _L)] for b in range(_NB)]
    d_s = [rel_v[pl.ds(PHASE_DIM + b * _L, _L)] - r0s[b] for b in range(_NB)]

    def compute_rel(j, r1, n):
        off = j * _C

        def group(k, carry):
            cg = comp_v[pl.ds(off + k * _L, _L)]

            def row(i, carry2):
                c = lax.gather(
                    cg, jnp.full((_L, 1), i, jnp.int32),
                    dimension_numbers=lax.GatherDimensionNumbers(
                        offset_dims=(), collapsed_slice_dims=(0,),
                        start_index_map=(0,)),
                    slice_sizes=(1,),
                    mode=lax.GatherScatterMode.PROMISE_IN_BOUNDS)
                cf = c.astype(jnp.float32)
                rbase = (k * _L + i) * PHASE_DIM
                for b in range(_NB):
                    r1[pl.ds(rbase + b * _L, _L)] = r0s[b] + cf * d_s[b]
                return carry2

            return lax.fori_loop(0, _L, row, carry)

        lax.fori_loop(0, n // _L, group, 0)

    def issue_g(j, r2, gs):
        off = j * _C
        pltpu.async_copy(table.at[idx1_v.at[pl.ds(off, _C)]],
                         r2.at[:, pl.ds(0, D_FEAT)], gs)
        pltpu.async_copy(table.at[idx0_v.at[pl.ds(off, _C)]],
                         r2.at[:, pl.ds(D_FEAT, D_FEAT)], gs)

    def wait_g(r2, gs):
        pltpu.make_async_copy(table.at[idx1_v.at[pl.ds(0, _C)]],
                              r2.at[:, pl.ds(0, D_FEAT)], gs).wait()
        pltpu.make_async_copy(table.at[idx0_v.at[pl.ds(0, _C)]],
                              r2.at[:, pl.ds(D_FEAT, D_FEAT)], gs).wait()

    def issue_w(j, r1, r2, ws):
        g = base + j * _C
        pltpu.async_copy(r1, out1.at[pl.ds(g * PHASE_DIM, _C * PHASE_DIM)], ws)
        pltpu.async_copy(r2, out2.at[pl.ds(g, _C)], ws)

    def wait_w(r1, r2, ws):
        pltpu.make_async_copy(r1, out1.at[pl.ds(0, _C * PHASE_DIM)], ws).wait()
        pltpu.make_async_copy(r2, out2.at[pl.ds(base, _C)], ws).wait()

    issue_g(0, r2a, gsa)
    issue_g(1, r2b, gsb)
    compute_rel(0, r1a, _C)

    def outer(jj2, carry):
        jj = jj2 * 2
        wait_g(r2a, gsa)
        issue_w(jj, r1a, r2a, wsa)
        compute_rel(jj + 1, r1b, _C)
        wait_g(r2b, gsb)
        issue_w(jj + 1, r1b, r2b, wsb)
        wait_w(r1a, r2a, wsa)
        issue_g(jj + 2, r2a, gsa)
        compute_rel(jj + 2, r1a, _C)
        wait_w(r1b, r2b, wsb)
        issue_g(jj + 3, r2b, gsb)
        return carry

    lax.fori_loop(0, _NFULL // 2 - 1, outer, 0)

    jj = _NFULL - 2
    wait_g(r2a, gsa)
    issue_w(jj, r1a, r2a, wsa)
    compute_rel(jj + 1, r1b, _C)
    wait_g(r2b, gsb)
    issue_w(jj + 1, r1b, r2b, wsb)
    wait_w(r1a, r2a, wsa)
    wait_w(r1b, r2b, wsb)

    toff = _NFULL * _C
    tg = base + toff
    c2 = pltpu.async_copy(table.at[idx1_v.at[pl.ds(toff, _TAIL)]],
                          r2a.at[pl.ds(0, _TAIL), pl.ds(0, D_FEAT)], gsa)
    c3 = pltpu.async_copy(table.at[idx0_v.at[pl.ds(toff, _TAIL)]],
                          r2a.at[pl.ds(0, _TAIL), pl.ds(D_FEAT, D_FEAT)], gsa)
    compute_rel(_NFULL, r1a, _TAIL)
    c2.wait()
    c3.wait()
    pltpu.sync_copy(r1a.at[pl.ds(0, _TAIL * PHASE_DIM)],
                    out1.at[pl.ds(tg * PHASE_DIM, _TAIL * PHASE_DIM)])
    pltpu.sync_copy(r2a.at[pl.ds(0, _TAIL)], out2.at[pl.ds(tg, _TAIL)])


@jax.jit
def _run(table, comp, edges, rel):
    mesh = plsc.VectorSubcoreMesh(core_axis_name="c", subcore_axis_name="s")
    f = functools.partial(
        pl.kernel,
        mesh=mesh,
        out_type=[
            jax.ShapeDtypeStruct((N_EDGES * PHASE_DIM,), jnp.float32),
            jax.ShapeDtypeStruct((N_EDGES, 2 * D_FEAT), jnp.float32),
        ],
        scratch_types=[
            pltpu.VMEM((_EPW,), jnp.int32),
            pltpu.VMEM((_EPW,), jnp.int32),
            pltpu.VMEM((_EPW,), jnp.int32),
            pltpu.VMEM((2 * PHASE_DIM,), jnp.float32),
            pltpu.VMEM((_C * PHASE_DIM,), jnp.float32),
            pltpu.VMEM((_C, 2 * D_FEAT), jnp.float32),
            pltpu.VMEM((_C * PHASE_DIM,), jnp.float32),
            pltpu.VMEM((_C, 2 * D_FEAT), jnp.float32),
            pltpu.SemaphoreType.DMA,
            pltpu.SemaphoreType.DMA,
            pltpu.SemaphoreType.DMA,
            pltpu.SemaphoreType.DMA,
        ],
    )(_body)
    return f(table, comp, edges, rel)


def kernel(phase_demand_embedding, pair_partial_competing, pair_edge_index,
           pair_relation_table):
    out1, out2 = _run(phase_demand_embedding, pair_partial_competing,
                      pair_edge_index.reshape(-1),
                      pair_relation_table.reshape(-1))
    return (out1.reshape(N_EDGES, PHASE_DIM), out2)

# --- scband reference (transcript-rebuilt; emitter-appended) ---
"""Pipeline reference for scband-frapphase-pair-embedding-23467701305374 (READ-ONLY COPY).

The authoritative reference and input builder live on the scoring server;
editing this copy changes nothing except your own understanding.
"""

import jax, jax.numpy as jnp
import numpy as np

N_NODES = 10000
N_EDGES = 320000
D_FEAT = 128
PHASE_DIM = 128


def setup_inputs(seed: int = 0) -> dict:
    key = jax.random.key(seed)
    k1, k2, k3, k4 = jax.random.split(key, 4)
    phase_demand_embedding = jax.random.normal(k1, (N_NODES, D_FEAT), dtype=jnp.float32)
    pair_partial_competing = jax.random.randint(k2, (N_EDGES,), 0, 2, dtype=jnp.int32)
    pair_edge_index = jax.random.randint(k3, (2, N_EDGES), 0, N_NODES, dtype=jnp.int32)
    # learned parameter: nn.Embedding(2, phase_dim) weight table
    pair_relation_table = jax.random.normal(k4, (2, PHASE_DIM), dtype=jnp.float32)
    return {
        "phase_demand_embedding": phase_demand_embedding,
        "pair_partial_competing": pair_partial_competing,
        "pair_edge_index": pair_edge_index,
        "pair_relation_table": pair_relation_table,
    }


def reference(phase_demand_embedding, pair_partial_competing, pair_edge_index, pair_relation_table):
    # pair_relation_embedding = Embedding(pair_partial_competing.squeeze())
    pair_relation_embedding = jnp.take(pair_relation_table, jnp.squeeze(pair_partial_competing), axis=0)
    # pair_demand_embedding = cat([x[edge_index[1]], x[edge_index[0]]], dim=1)
    dst = jnp.take(phase_demand_embedding, pair_edge_index[1], axis=0)
    src = jnp.take(phase_demand_embedding, pair_edge_index[0], axis=0)
    pair_demand_embedding = jnp.concatenate([dst, src], axis=1)
    return (pair_relation_embedding, pair_demand_embedding)

if __name__ == "__main__":
    import jax
    _d = setup_inputs()
    print(jax.jit(kernel)(*tuple(_d.values())))

</pallas_src>

<mosaic_0001>
#map = affine_map<(d0, d1) -> (0, 0)>
#map1 = affine_map<(d0, d1) -> (0)>
module attributes {stable_mosaic.version = 14 : i64} {
  func.func @_body(%arg0: i32, %arg1: i32, %arg2: memref<10000x128xf32, #tpu.memory_space<hbm>>, %arg3: memref<320000xi32, #tpu.memory_space<hbm>>, %arg4: memref<640000xi32, #tpu.memory_space<hbm>>, %arg5: memref<256xf32, #tpu.memory_space<hbm>>, %arg6: memref<40960000xf32, #tpu.memory_space<hbm>>, %arg7: memref<320000x256xf32, #tpu.memory_space<hbm>>, %arg8: memref<10000xi32, #tpu.memory_space<vmem>>, %arg9: memref<10000xi32, #tpu.memory_space<vmem>>, %arg10: memref<10000xi32, #tpu.memory_space<vmem>>, %arg11: memref<256xf32, #tpu.memory_space<vmem>>, %arg12: memref<16384xf32, #tpu.memory_space<vmem>>, %arg13: memref<128x256xf32, #tpu.memory_space<vmem>>, %arg14: memref<16384xf32, #tpu.memory_space<vmem>>, %arg15: memref<128x256xf32, #tpu.memory_space<vmem>>, %arg16: memref<!tpu.dma_semaphore, #tpu.memory_space<semaphore_mem>>, %arg17: memref<!tpu.dma_semaphore, #tpu.memory_space<semaphore_mem>>, %arg18: memref<!tpu.dma_semaphore, #tpu.memory_space<semaphore_mem>>, %arg19: memref<!tpu.dma_semaphore, #tpu.memory_space<semaphore_mem>>) attributes {dimension_semantics = [#tpu.dimension_semantics<core_parallel>, #tpu.dimension_semantics<subcore_parallel>], iteration_bounds = array<i64: 2, 16>, scalar_prefetch = 0 : i64, scratch_operands = 12 : i64, tpu.core_type = #tpu.core_type<sc_vector_subcore>, window_params = [{transform_indices = #map}, {transform_indices = #map1}, {transform_indices = #map1}, {transform_indices = #map1}, {transform_indices = #map1}, {transform_indices = #map}]} {
    %mul3A = arith.constant 2 : i32
    %mul3A_0 = arith.muli %arg1, %mul3A : i32
    %add3A = arith.addi %mul3A_0, %arg0 : i32
    %mul3A_1 = arith.constant 10000 : i32
    %mul3A_2 = arith.muli %add3A, %mul3A_1 : i32
    %add3A_3 = arith.constant 320000 : i32
    %add3A_4 = arith.addi %add3A_3, %mul3A_2 : i32
    "tpu.region"() ({
      %run_scoped3A = tpu.sem_alloc : memref<!tpu.dma_semaphore, #tpu.memory_space<semaphore_mem>>
      %dma_start3A_225 = tpu.memref_slice %arg4[%add3A_4] : memref<640000xi32, #tpu.memory_space<hbm>> -> memref<10000xi32, #tpu.memory_space<hbm>>
      %dma_start3A_226 = tpu.memref_slice %arg4[%add3A_4] : memref<640000xi32, #tpu.memory_space<hbm>> -> memref<10000xi32, #tpu.memory_space<hbm>>
      tpu.enqueue_dma source(%dma_start3A_226 : memref<10000xi32, #tpu.memory_space<hbm>>) target(%arg8 : memref<10000xi32, #tpu.memory_space<vmem>>) target_semaphore(%run_scoped3A : memref<!tpu.dma_semaphore, #tpu.memory_space<semaphore_mem>>)
      %dma_wait3A_227 = tpu.memref_slice %arg4[%add3A_4] : memref<640000xi32, #tpu.memory_space<hbm>> -> memref<10000xi32, #tpu.memory_space<hbm>>
      %dma_wait3A_228 = tpu.memref_slice %arg4[%add3A_4] : memref<640000xi32, #tpu.memory_space<hbm>> -> memref<10000xi32, #tpu.memory_space<hbm>>
      tpu.wait_dma2 semaphore(%run_scoped3A : memref<!tpu.dma_semaphore, #tpu.memory_space<semaphore_mem>>) src(%dma_wait3A_228 : memref<10000xi32, #tpu.memory_space<hbm>>) dst(%arg8 : memref<10000xi32, #tpu.memory_space<vmem>>)
      tpu.yield
    }) : () -> ()
    "tpu.region"() ({
      %run_scoped3A = tpu.sem_alloc : memref<!tpu.dma_semaphore, #tpu.memory_space<semaphore_mem>>
      %dma_start3A_225 = tpu.memref_slice %arg4[%mul3A_2] : memref<640000xi32, #tpu.memory_space<hbm>> -> memref<10000xi32, #tpu.memory_space<hbm>>
      %dma_start3A_226 = tpu.memref_slice %arg4[%mul3A_2] : memref<640000xi32, #tpu.memory_space<hbm>> -> memref<10000xi32, #tpu.memory_space<hbm>>
      tpu.enqueue_dma source(%dma_start3A_226 : memref<10000xi32, #tpu.memory_space<hbm>>) target(%arg9 : memref<10000xi32, #tpu.memory_space<vmem>>) target_semaphore(%run_scoped3A : memref<!tpu.dma_semaphore, #tpu.memory_space<semaphore_mem>>)
      %dma_wait3A_227 = tpu.memref_slice %arg4[%mul3A_2] : memref<640000xi32, #tpu.memory_space<hbm>> -> memref<10000xi32, #tpu.memory_space<hbm>>
      %dma_wait3A_228 = tpu.memref_slice %arg4[%mul3A_2] : memref<640000xi32, #tpu.memory_space<hbm>> -> memref<10000xi32, #tpu.memory_space<hbm>>
      tpu.wait_dma2 semaphore(%run_scoped3A : memref<!tpu.dma_semaphore, #tpu.memory_space<semaphore_mem>>) src(%dma_wait3A_228 : memref<10000xi32, #tpu.memory_space<hbm>>) dst(%arg9 : memref<10000xi32, #tpu.memory_space<vmem>>)
      tpu.yield
    }) : () -> ()
    "tpu.region"() ({
      %run_scoped3A = tpu.sem_alloc : memref<!tpu.dma_semaphore, #tpu.memory_space<semaphore_mem>>
      %dma_start3A_225 = tpu.memref_slice %arg3[%mul3A_2] : memref<320000xi32, #tpu.memory_space<hbm>> -> memref<10000xi32, #tpu.memory_space<hbm>>
      %dma_start3A_226 = tpu.memref_slice %arg3[%mul3A_2] : memref<320000xi32, #tpu.memory_space<hbm>> -> memref<10000xi32, #tpu.memory_space<hbm>>
      tpu.enqueue_dma source(%dma_start3A_226 : memref<10000xi32, #tpu.memory_space<hbm>>) target(%arg10 : memref<10000xi32, #tpu.memory_space<vmem>>) target_semaphore(%run_scoped3A : memref<!tpu.dma_semaphore, #tpu.memory_space<semaphore_mem>>)
      %dma_wait3A_227 = tpu.memref_slice %arg3[%mul3A_2] : memref<320000xi32, #tpu.memory_space<hbm>> -> memref<10000xi32, #tpu.memory_space<hbm>>
      %dma_wait3A_228 = tpu.memref_slice %arg3[%mul3A_2] : memref<320000xi32, #tpu.memory_space<hbm>> -> memref<10000xi32, #tpu.memory_space<hbm>>
      tpu.wait_dma2 semaphore(%run_scoped3A : memref<!tpu.dma_semaphore, #tpu.memory_space<semaphore_mem>>) src(%dma_wait3A_228 : memref<10000xi32, #tpu.memory_space<hbm>>) dst(%arg10 : memref<10000xi32, #tpu.memory_space<vmem>>)
      tpu.yield
    }) : () -> ()
    "tpu.region"() ({
      %run_scoped3A = tpu.sem_alloc : memref<!tpu.dma_semaphore, #tpu.memory_space<semaphore_mem>>
      tpu.enqueue_dma source(%arg5 : memref<256xf32, #tpu.memory_space<hbm>>) target(%arg11 : memref<256xf32, #tpu.memory_space<vmem>>) target_semaphore(%run_scoped3A : memref<!tpu.dma_semaphore, #tpu.memory_space<semaphore_mem>>)
      tpu.wait_dma2 semaphore(%run_scoped3A : memref<!tpu.dma_semaphore, #tpu.memory_space<semaphore_mem>>) src(%arg5 : memref<256xf32, #tpu.memory_space<hbm>>) dst(%arg11 : memref<256xf32, #tpu.memory_space<vmem>>)
      tpu.yield
    }) : () -> ()
    %get3A = arith.constant 0 : index
    %get3A_5 = tpu.vector_load %arg11[%get3A] {strides = array<i32>} : memref<256xf32, #tpu.memory_space<vmem>>, vector<16xf32>,
    %get3A_6 = vector.shape_cast %get3A_5 : vector<16xf32> to vector<16xf32>
    %get3A_7 = arith.constant 16 : index
    %get3A_8 = tpu.vector_load %arg11[%get3A_7] {strides = array<i32>} : memref<256xf32, #tpu.memory_space<vmem>>, vector<16xf32>,
    %get3A_9 = vector.shape_cast %get3A_8 : vector<16xf32> to vector<16xf32>
    %get3A_10 = arith.constant 32 : index
    %get3A_11 = tpu.vector_load %arg11[%get3A_10] {strides = array<i32>} : memref<256xf32, #tpu.memory_space<vmem>>, vector<16xf32>,
    %get3A_12 = vector.shape_cast %get3A_11 : vector<16xf32> to vector<16xf32>
    %get3A_13 = arith.constant 48 : index
    %get3A_14 = tpu.vector_load %arg11[%get3A_13] {strides = array<i32>} : memref<256xf32, #tpu.memory_space<vmem>>, vector<16xf32>,
    %get3A_15 = vector.shape_cast %get3A_14 : vector<16xf32> to vector<16xf32>
    %get3A_16 = arith.constant 64 : index
    %get3A_17 = tpu.vector_load %arg11[%get3A_16] {strides = array<i32>} : memref<256xf32, #tpu.memory_space<vmem>>, vector<16xf32>,
    %get3A_18 = vector.shape_cast %get3A_17 : vector<16xf32> to vector<16xf32>
    %get3A_19 = arith.constant 80 : index
    %get3A_20 = tpu.vector_load %arg11[%get3A_19] {strides = array<i32>} : memref<256xf32, #tpu.memory_space<vmem>>, vector<16xf32>,
    %get3A_21 = vector.shape_cast %get3A_20 : vector<16xf32> to vector<16xf32>
    %get3A_22 = arith.constant 96 : index
    %get3A_23 = tpu.vector_load %arg11[%get3A_22] {strides = array<i32>} : memref<256xf32, #tpu.memory_space<vmem>>, vector<16xf32>,
    %get3A_24 = vector.shape_cast %get3A_23 : vector<16xf32> to vector<16xf32>
    %get3A_25 = arith.constant 112 : index
    %get3A_26 = tpu.vector_load %arg11[%get3A_25] {strides = array<i32>} : memref<256xf32, #tpu.memory_space<vmem>>, vector<16xf32>,
    %get3A_27 = vector.shape_cast %get3A_26 : vector<16xf32> to vector<16xf32>
    %get3A_28 = arith.constant 128 : index
    %get3A_29 = tpu.vector_load %arg11[%get3A_28] {strides = array<i32>} : memref<256xf32, #tpu.memory_space<vmem>>, vector<16xf32>,
    %get3A_30 = vector.shape_cast %get3A_29 : vector<16xf32> to vector<16xf32>
    %sub3A = arith.subf %get3A_30, %get3A_6 : vector<16xf32>
    %get3A_31 = arith.constant 144 : index
    %get3A_32 = tpu.vector_load %arg11[%get3A_31] {strides = array<i32>} : memref<256xf32, #tpu.memory_space<vmem>>, vector<16xf32>,
    %get3A_33 = vector.shape_cast %get3A_32 : vector<16xf32> to vector<16xf32>
    %sub3A_34 = arith.subf %get3A_33, %get3A_9 : vector<16xf32>
    %get3A_35 = arith.constant 160 : index
    %get3A_36 = tpu.vector_load %arg11[%get3A_35] {strides = array<i32>} : memref<256xf32, #tpu.memory_space<vmem>>, vector<16xf32>,
    %get3A_37 = vector.shape_cast %get3A_36 : vector<16xf32> to vector<16xf32>
    %sub3A_38 = arith.subf %get3A_37, %get3A_12 : vector<16xf32>
    %get3A_39 = arith.constant 176 : index
    %get3A_40 = tpu.vector_load %arg11[%get3A_39] {strides = array<i32>} : memref<256xf32, #tpu.memory_space<vmem>>, vector<16xf32>,
    %get3A_41 = vector.shape_cast %get3A_40 : vector<16xf32> to vector<16xf32>
    %sub3A_42 = arith.subf %get3A_41, %get3A_15 : vector<16xf32>
    %get3A_43 = arith.constant 192 : index
    %get3A_44 = tpu.vector_load %arg11[%get3A_43] {strides = array<i32>} : memref<256xf32, #tpu.memory_space<vmem>>, vector<16xf32>,
    %get3A_45 = vector.shape_cast %get3A_44 : vector<16xf32> to vector<16xf32>
    %sub3A_46 = arith.subf %get3A_45, %get3A_18 : vector<16xf32>
    %get3A_47 = arith.constant 208 : index
    %get3A_48 = tpu.vector_load %arg11[%get3A_47] {strides = array<i32>} : memref<256xf32, #tpu.memory_space<vmem>>, vector<16xf32>,
    %get3A_49 = vector.shape_cast %get3A_48 : vector<16xf32> to vector<16xf32>
    %sub3A_50 = arith.subf %get3A_49, %get3A_21 : vector<16xf32>
    %get3A_51 = arith.constant 224 : index
    %get3A_52 = tpu.vector_load %arg11[%get3A_51] {strides = array<i32>} : memref<256xf32, #tpu.memory_space<vmem>>, vector<16xf32>,
    %get3A_53 = vector.shape_cast %get3A_52 : vector<16xf32> to vector<16xf32>
    %sub3A_54 = arith.subf %get3A_53, %get3A_24 : vector<16xf32>
    %get3A_55 = arith.constant 240 : index
    %get3A_56 = tpu.vector_load %arg11[%get3A_55] {strides = array<i32>} : memref<256xf32, #tpu.memory_space<vmem>>, vector<16xf32>,
    %get3A_57 = vector.shape_cast %get3A_56 : vector<16xf32> to vector<16xf32>
    %sub3A_58 = arith.subf %get3A_57, %get3A_27 : vector<16xf32>
    %dma_start3A = arith.constant 0 : i32
    %dma_start3A_59 = arith.constant 0 : i32
    %dma_start3A_60 = tpu.memref_slice %arg13[%dma_start3A, %dma_start3A_59] : memref<128x256xf32, #tpu.memory_space<vmem>> -> memref<128x128xf32, #tpu.memory_space<vmem>>
    %dma_start3A_61 = arith.constant 0 : i32
    %dma_start3A_62 = tpu.memref_slice %arg8[%dma_start3A_61] : memref<10000xi32, #tpu.memory_space<vmem>> -> memref<128xi32, #tpu.memory_space<vmem>>
    %dma_start3A_63 = arith.constant 0 : i32
    %dma_start3A_64 = arith.constant 0 : i32
    %dma_start3A_65 = tpu.memref_slice %arg2[%dma_start3A_63, %dma_start3A_64] : memref<10000x128xf32, #tpu.memory_space<hbm>> -> memref<10000x128xf32, #tpu.memory_space<hbm>>
    tpu.enqueue_indirect_dma source(%dma_start3A_65 : memref<10000x128xf32, #tpu.memory_space<hbm>>) target(%dma_start3A_60 : memref<128x128xf32, #tpu.memory_space<vmem>>) offsets(%dma_start3A_62 : memref<128xi32, #tpu.memory_space<vmem>>) semaphore(%arg16 : memref<!tpu.dma_semaphore, #tpu.memory_space<semaphore_mem>>)
    %dma_start3A_66 = arith.constant 0 : i32
    %dma_start3A_67 = arith.constant 128 : i32
    %dma_start3A_68 = tpu.memref_slice %arg13[%dma_start3A_66, %dma_start3A_67] : memref<128x256xf32, #tpu.memory_space<vmem>> -> memref<128x128xf32, #tpu.memory_space<vmem>>
    %dma_start3A_69 = arith.constant 0 : i32
    %dma_start3A_70 = tpu.memref_slice %arg9[%dma_start3A_69] : memref<10000xi32, #tpu.memory_space<vmem>> -> memref<128xi32, #tpu.memory_space<vmem>>
    %dma_start3A_71 = arith.constant 0 : i32
    %dma_start3A_72 = arith.constant 0 : i32
    %dma_start3A_73 = tpu.memref_slice %arg2[%dma_start3A_71, %dma_start3A_72] : memref<10000x128xf32, #tpu.memory_space<hbm>> -> memref<10000x128xf32, #tpu.memory_space<hbm>>
    tpu.enqueue_indirect_dma source(%dma_start3A_73 : memref<10000x128xf32, #tpu.memory_space<hbm>>) target(%dma_start3A_68 : memref<128x128xf32, #tpu.memory_space<vmem>>) offsets(%dma_start3A_70 : memref<128xi32, #tpu.memory_space<vmem>>) semaphore(%arg16 : memref<!tpu.dma_semaphore, #tpu.memory_space<semaphore_mem>>)
    %dma_start3A_74 = arith.constant 0 : i32
    %dma_start3A_75 = arith.constant 0 : i32
    %dma_start3A_76 = tpu.memref_slice %arg15[%dma_start3A_74, %dma_start3A_75] : memref<128x256xf32, #tpu.memory_space<vmem>> -> memref<128x128xf32, #tpu.memory_space<vmem>>
    %dma_start3A_77 = arith.constant 128 : i32
    %dma_start3A_78 = tpu.memref_slice %arg8[%dma_start3A_77] : memref<10000xi32, #tpu.memory_space<vmem>> -> memref<128xi32, #tpu.memory_space<vmem>>
    %dma_start3A_79 = arith.constant 0 : i32
    %dma_start3A_80 = arith.constant 0 : i32
    %dma_start3A_81 = tpu.memref_slice %arg2[%dma_start3A_79, %dma_start3A_80] : memref<10000x128xf32, #tpu.memory_space<hbm>> -> memref<10000x128xf32, #tpu.memory_space<hbm>>
    tpu.enqueue_indirect_dma source(%dma_start3A_81 : memref<10000x128xf32, #tpu.memory_space<hbm>>) target(%dma_start3A_76 : memref<128x128xf32, #tpu.memory_space<vmem>>) offsets(%dma_start3A_78 : memref<128xi32, #tpu.memory_space<vmem>>) semaphore(%arg17 : memref<!tpu.dma_semaphore, #tpu.memory_space<semaphore_mem>>)
    %dma_start3A_82 = arith.constant 0 : i32
    %dma_start3A_83 = arith.constant 128 : i32
    %dma_start3A_84 = tpu.memref_slice %arg15[%dma_start3A_82, %dma_start3A_83] : memref<128x256xf32, #tpu.memory_space<vmem>> -> memref<128x128xf32, #tpu.memory_space<vmem>>
    %dma_start3A_85 = arith.constant 128 : i32
    %dma_start3A_86 = tpu.memref_slice %arg9[%dma_start3A_85] : memref<10000xi32, #tpu.memory_space<vmem>> -> memref<128xi32, #tpu.memory_space<vmem>>
    %dma_start3A_87 = arith.constant 0 : i32
    %dma_start3A_88 = arith.constant 0 : i32
    %dma_start3A_89 = tpu.memref_slice %arg2[%dma_start3A_87, %dma_start3A_88] : memref<10000x128xf32, #tpu.memory_space<hbm>> -> memref<10000x128xf32, #tpu.memory_space<hbm>>
    tpu.enqueue_indirect_dma source(%dma_start3A_89 : memref<10000x128xf32, #tpu.memory_space<hbm>>) target(%dma_start3A_84 : memref<128x128xf32, #tpu.memory_space<vmem>>) offsets(%dma_start3A_86 : memref<128xi32, #tpu.memory_space<vmem>>) semaphore(%arg17 : memref<!tpu.dma_semaphore, #tpu.memory_space<semaphore_mem>>)
    %scan3A = arith.constant 0 : i32
    %scan3A_90 = arith.constant 0 : i32
    %scan3A_91 = arith.constant 8 : i32
    %scan3A_92 = arith.addi %scan3A_90, %scan3A_91 : i32
    %scan3A_93 = arith.constant 1 : i32
    scf.for %scan3A_225 = %scan3A_90 to %scan3A_92 step %scan3A_93  : i32 {
      %mul3A_226 = arith.constant 16 : i32
      %mul3A_227 = arith.muli %scan3A_225, %mul3A_226 : i32
      %add3A_228 = arith.constant 0 : i32
      %add3A_229 = arith.addi %add3A_228, %mul3A_227 : i32
      %get3A_230 = arith.index_cast %add3A_229 : i32 to index
      %get3A_231 = tpu.vector_load %arg10[%get3A_230] {strides = array<i32>} : memref<10000xi32, #tpu.memory_space<vmem>>, vector<16xi32>,
      %get3A_232 = vector.shape_cast %get3A_231 : vector<16xi32> to vector<16xi32>
      %scan3A_233 = arith.constant 0 : i32
      %scan3A_234 = arith.constant 16 : i32
      %scan3A_235 = arith.addi %scan3A_233, %scan3A_234 : i32
      %scan3A_236 = arith.constant 1 : i32
      scf.for %scan3A_238 = %scan3A_233 to %scan3A_235 step %scan3A_236  : i32 {
        %broadcast_in_dim3A = vector.broadcast %scan3A_238 : i32 to vector<16x1xi32>
        %gather3A = vector.shape_cast %broadcast_in_dim3A : vector<16x1xi32> to vector<16xi32>
        %gather3A_239 = tpu.dynamic_gather %get3A_232[%gather3A] in [0] : vector<16xi32>, vector<16xi32> -> vector<16xi32>
        %convert_element_type3A = arith.sitofp %gather3A_239 : vector<16xi32> to vector<16xf32>
        %mul3A_240 = arith.constant 16 : i32
        %mul3A_241 = arith.muli %scan3A_225, %mul3A_240 : i32
        %add3A_242 = arith.addi %mul3A_241, %scan3A_238 : i32
        %mul3A_243 = arith.constant 128 : i32
        %mul3A_244 = arith.muli %add3A_242, %mul3A_243 : i32
        %mul3A_245 = arith.mulf %convert_element_type3A, %sub3A : vector<16xf32>
        %add3A_246 = arith.addf %get3A_6, %mul3A_245 : vector<16xf32>
        %add3A_247 = arith.constant 0 : i32
        %add3A_248 = arith.addi %mul3A_244, %add3A_247 : i32
        %swap3A = arith.index_cast %add3A_248 : i32 to index
        %swap3A_249 = tpu.vector_load %arg12[%swap3A] {strides = array<i32>} : memref<16384xf32, #tpu.memory_space<vmem>>, vector<16xf32>,
        %swap3A_250 = vector.shape_cast %swap3A_249 : vector<16xf32> to vector<16xf32>
        %swap3A_251 = vector.shape_cast %add3A_246 : vector<16xf32> to vector<16xf32>
        tpu.vector_store %arg12[%swap3A], %swap3A_251 {strides = array<i32>} : memref<16384xf32, #tpu.memory_space<vmem>>, vector<16xf32>,
        %mul3A_252 = arith.mulf %convert_element_type3A, %sub3A_34 : vector<16xf32>
        %add3A_253 = arith.addf %get3A_9, %mul3A_252 : vector<16xf32>
        %add3A_254 = arith.constant 16 : i32
        %add3A_255 = arith.addi %mul3A_244, %add3A_254 : i32
        %swap3A_256 = arith.index_cast %add3A_255 : i32 to index
        %swap3A_257 = tpu.vector_load %arg12[%swap3A_256] {strides = array<i32>} : memref<16384xf32, #tpu.memory_space<vmem>>, vector<16xf32>,
        %swap3A_258 = vector.shape_cast %swap3A_257 : vector<16xf32> to vector<16xf32>
        %swap3A_259 = vector.shape_cast %add3A_253 : vector<16xf32> to vector<16xf32>
        tpu.vector_store %arg12[%swap3A_256], %swap3A_259 {strides = array<i32>} : memref<16384xf32, #tpu.memory_space<vmem>>, vector<16xf32>,
        %mul3A_260 = arith.mulf %convert_element_type3A, %sub3A_38 : vector<16xf32>
        %add3A_261 = arith.addf %get3A_12, %mul3A_260 : vector<16xf32>
        %add3A_262 = arith.constant 32 : i32
        %add3A_263 = arith.addi %mul3A_244, %add3A_262 : i32
        %swap3A_264 = arith.index_cast %add3A_263 : i32 to index
        %swap3A_265 = tpu.vector_load %arg12[%swap3A_264] {strides = array<i32>} : memref<16384xf32, #tpu.memory_space<vmem>>, vector<16xf32>,
        %swap3A_266 = vector.shape_cast %swap3A_265 : vector<16xf32> to vector<16xf32>
        %swap3A_267 = vector.shape_cast %add3A_261 : vector<16xf32> to vector<16xf32>
        tpu.vector_store %arg12[%swap3A_264], %swap3A_267 {strides = array<i32>} : memref<16384xf32, #tpu.memory_space<vmem>>, vector<16xf32>,
        %mul3A_268 = arith.mulf %convert_element_type3A, %sub3A_42 : vector<16xf32>
        %add3A_269 = arith.addf %get3A_15, %mul3A_268 : vector<16xf32>
        %add3A_270 = arith.constant 48 : i32
        %add3A_271 = arith.addi %mul3A_244, %add3A_270 : i32
        %swap3A_272 = arith.index_cast %add3A_271 : i32 to index
        %swap3A_273 = tpu.vector_load %arg12[%swap3A_272] {strides = array<i32>} : memref<16384xf32, #tpu.memory_space<vmem>>, vector<16xf32>,
        %swap3A_274 = vector.shape_cast %swap3A_273 : vector<16xf32> to vector<16xf32>
        %swap3A_275 = vector.shape_cast %add3A_269 : vector<16xf32> to vector<16xf32>
        tpu.vector_store %arg12[%swap3A_272], %swap3A_275 {strides = array<i32>} : memref<16384xf32, #tpu.memory_space<vmem>>, vector<16xf32>,
        %mul3A_276 = arith.mulf %convert_element_type3A, %sub3A_46 : vector<16xf32>
        %add3A_277 = arith.addf %get3A_18, %mul3A_276 : vector<16xf32>
        %add3A_278 = arith.constant 64 : i32
        %add3A_279 = arith.addi %mul3A_244, %add3A_278 : i32
        %swap3A_280 = arith.index_cast %add3A_279 : i32 to index
        %swap3A_281 = tpu.vector_load %arg12[%swap3A_280] {strides = array<i32>} : memref<16384xf32, #tpu.memory_space<vmem>>, vector<16xf32>,
        %swap3A_282 = vector.shape_cast %swap3A_281 : vector<16xf32> to vector<16xf32>
        %swap3A_283 = vector.shape_cast %add3A_277 : vector<16xf32> to vector<16xf32>
        tpu.vector_store %arg12[%swap3A_280], %swap3A_283 {strides = array<i32>} : memref<16384xf32, #tpu.memory_space<vmem>>, vector<16xf32>,
        %mul3A_284 = arith.mulf %convert_element_type3A, %sub3A_50 : vector<16xf32>
        %add3A_285 = arith.addf %get3A_21, %mul3A_284 : vector<16xf32>
        %add3A_286 = arith.constant 80 : i32
        %add3A_287 = arith.addi %mul3A_244, %add3A_286 : i32
        %swap3A_288 = arith.index_cast %add3A_287 : i32 to index
        %swap3A_289 = tpu.vector_load %arg12[%swap3A_288] {strides = array<i32>} : memref<16384xf32, #tpu.memory_space<vmem>>, vector<16xf32>,
        %swap3A_290 = vector.shape_cast %swap3A_289 : vector<16xf32> to vector<16xf32>
        %swap3A_291 = vector.shape_cast %add3A_285 : vector<16xf32> to vector<16xf32>
        tpu.vector_store %arg12[%swap3A_288], %swap3A_291 {strides = array<i32>} : memref<16384xf32, #tpu.memory_space<vmem>>, vector<16xf32>,
        %mul3A_292 = arith.mulf %convert_element_type3A, %sub3A_54 : vector<16xf32>
        %add3A_293 = arith.addf %get3A_24, %mul3A_292 : vector<16xf32>
        %add3A_294 = arith.constant 96 : i32
        %add3A_295 = arith.addi %mul3A_244, %add3A_294 : i32
        %swap3A_296 = arith.index_cast %add3A_295 : i32 to index
        %swap3A_297 = tpu.vector_load %arg12[%swap3A_296] {strides = array<i32>} : memref<16384xf32, #tpu.memory_space<vmem>>, vector<16xf32>,
        %swap3A_298 = vector.shape_cast %swap3A_297 : vector<16xf32> to vector<16xf32>
        %swap3A_299 = vector.shape_cast %add3A_293 : vector<16xf32> to vector<16xf32>
        tpu.vector_store %arg12[%swap3A_296], %swap3A_299 {strides = array<i32>} : memref<16384xf32, #tpu.memory_space<vmem>>, vector<16xf32>,
        %mul3A_300 = arith.mulf %convert_element_type3A, %sub3A_58 : vector<16xf32>
        %add3A_301 = arith.addf %get3A_27, %mul3A_300 : vector<16xf32>
        %add3A_302 = arith.constant 112 : i32
        %add3A_303 = arith.addi %mul3A_244, %add3A_302 : i32
        %swap3A_304 = arith.index_cast %add3A_303 : i32 to index
        %swap3A_305 = tpu.vector_load %arg12[%swap3A_304] {strides = array<i32>} : memref<16384xf32, #tpu.memory_space<vmem>>, vector<16xf32>,
        %swap3A_306 = vector.shape_cast %swap3A_305 : vector<16xf32> to vector<16xf32>
        %swap3A_307 = vector.shape_cast %add3A_301 : vector<16xf32> to vector<16xf32>
        tpu.vector_store %arg12[%swap3A_304], %swap3A_307 {strides = array<i32>} : memref<16384xf32, #tpu.memory_space<vmem>>, vector<16xf32>,
      }
      %scan3A_237 = arith.constant 16 : i32
    }
    %scan3A_94 = arith.constant 8 : i32
    %scan3A_95 = arith.constant 0 : i32
    %scan3A_96 = arith.constant 0 : i32
    %scan3A_97 = arith.constant 38 : i32
    %scan3A_98 = arith.addi %scan3A_96, %scan3A_97 : i32
    %scan3A_99 = arith.constant 1 : i32
    scf.for %scan3A_225 = %scan3A_96 to %scan3A_98 step %scan3A_99  : i32 {
      %mul3A_226 = arith.constant 2 : i32
      %mul3A_227 = arith.muli %scan3A_225, %mul3A_226 : i32
      %dma_wait3A_228 = arith.constant 0 : i32
      %dma_wait3A_229 = arith.constant 0 : i32
      %dma_wait3A_230 = tpu.memref_slice %arg13[%dma_wait3A_228, %dma_wait3A_229] : memref<128x256xf32, #tpu.memory_space<vmem>> -> memref<128x128xf32, #tpu.memory_space<vmem>>
      %dma_wait3A_231 = arith.constant 0 : i32
      %dma_wait3A_232 = tpu.memref_slice %arg8[%dma_wait3A_231] : memref<10000xi32, #tpu.memory_space<vmem>> -> memref<128xi32, #tpu.memory_space<vmem>>
      %dma_wait3A_233 = arith.constant 0 : i32
      %dma_wait3A_234 = arith.constant 0 : i32
      %dma_wait3A_235 = tpu.memref_slice %arg2[%dma_wait3A_233, %dma_wait3A_234] : memref<10000x128xf32, #tpu.memory_space<hbm>> -> memref<10000x128xf32, #tpu.memory_space<hbm>>
      tpu.wait_indirect_dma semaphore(%arg16 : memref<!tpu.dma_semaphore, #tpu.memory_space<semaphore_mem>>) src(%dma_wait3A_235 : memref<10000x128xf32, #tpu.memory_space<hbm>>) dst(%dma_wait3A_230 : memref<128x128xf32, #tpu.memory_space<vmem>>)
      %dma_wait3A_236 = arith.constant 0 : i32
      %dma_wait3A_237 = arith.constant 128 : i32
      %dma_wait3A_238 = tpu.memref_slice %arg13[%dma_wait3A_236, %dma_wait3A_237] : memref<128x256xf32, #tpu.memory_space<vmem>> -> memref<128x128xf32, #tpu.memory_space<vmem>>
      %dma_wait3A_239 = arith.constant 0 : i32
      %dma_wait3A_240 = tpu.memref_slice %arg9[%dma_wait3A_239] : memref<10000xi32, #tpu.memory_space<vmem>> -> memref<128xi32, #tpu.memory_space<vmem>>
      %dma_wait3A_241 = arith.constant 0 : i32
      %dma_wait3A_242 = arith.constant 0 : i32
      %dma_wait3A_243 = tpu.memref_slice %arg2[%dma_wait3A_241, %dma_wait3A_242] : memref<10000x128xf32, #tpu.memory_space<hbm>> -> memref<10000x128xf32, #tpu.memory_space<hbm>>
      tpu.wait_indirect_dma semaphore(%arg16 : memref<!tpu.dma_semaphore, #tpu.memory_space<semaphore_mem>>) src(%dma_wait3A_243 : memref<10000x128xf32, #tpu.memory_space<hbm>>) dst(%dma_wait3A_238 : memref<128x128xf32, #tpu.memory_space<vmem>>)
      %mul3A_244 = arith.constant 128 : i32
      %mul3A_245 = arith.muli %mul3A_227, %mul3A_244 : i32
      %add3A_246 = arith.addi %mul3A_2, %mul3A_245 : i32
      %mul3A_247 = arith.constant 128 : i32
      %mul3A_248 = arith.muli %add3A_246, %mul3A_247 : i32
      %dma_start3A_249 = tpu.memref_slice %arg6[%mul3A_248] : memref<40960000xf32, #tpu.memory_space<hbm>> -> memref<16384xf32, #tpu.memory_space<hbm>>
      %dma_start3A_250 = tpu.memref_slice %arg6[%mul3A_248] : memref<40960000xf32, #tpu.memory_space<hbm>> -> memref<16384xf32, #tpu.memory_space<hbm>>
      tpu.enqueue_dma source(%arg12 : memref<16384xf32, #tpu.memory_space<vmem>>) target(%dma_start3A_250 : memref<16384xf32, #tpu.memory_space<hbm>>) target_semaphore(%arg18 : memref<!tpu.dma_semaphore, #tpu.memory_space<semaphore_mem>>)
      %dma_start3A_251 = arith.constant 0 : i32
      %dma_start3A_252 = tpu.memref_slice %arg7[%add3A_246, %dma_start3A_251] : memref<320000x256xf32, #tpu.memory_space<hbm>> -> memref<128x256xf32, #tpu.memory_space<hbm>>
      %dma_start3A_253 = arith.constant 0 : i32
      %dma_start3A_254 = tpu.memref_slice %arg7[%add3A_246, %dma_start3A_253] : memref<320000x256xf32, #tpu.memory_space<hbm>> -> memref<128x256xf32, #tpu.memory_space<hbm>>
      tpu.enqueue_dma source(%arg13 : memref<128x256xf32, #tpu.memory_space<vmem>>) target(%dma_start3A_254 : memref<128x256xf32, #tpu.memory_space<hbm>>) target_semaphore(%arg18 : memref<!tpu.dma_semaphore, #tpu.memory_space<semaphore_mem>>)
      %add3A_255 = arith.constant 1 : i32
      %add3A_256 = arith.addi %mul3A_227, %add3A_255 : i32
      %mul3A_257 = arith.constant 128 : i32
      %mul3A_258 = arith.muli %add3A_256, %mul3A_257 : i32
      %scan3A_259 = arith.constant 0 : i32
      %scan3A_260 = arith.constant 0 : i32
      %scan3A_261 = arith.constant 8 : i32
      %scan3A_262 = arith.addi %scan3A_260, %scan3A_261 : i32
      %scan3A_263 = arith.constant 1 : i32
      scf.for %scan3A_356 = %scan3A_260 to %scan3A_262 step %scan3A_263  : i32 {
        %mul3A_357 = arith.constant 16 : i32
        %mul3A_358 = arith.muli %scan3A_356, %mul3A_357 : i32
        %add3A_359 = arith.addi %mul3A_258, %mul3A_358 : i32
        %get3A_360 = arith.index_cast %add3A_359 : i32 to index
        %get3A_361 = tpu.vector_load %arg10[%get3A_360] {strides = array<i32>} : memref<10000xi32, #tpu.memory_space<vmem>>, vector<16xi32>,
        %get3A_362 = vector.shape_cast %get3A_361 : vector<16xi32> to vector<16xi32>
        %scan3A_363 = arith.constant 0 : i32
        %scan3A_364 = arith.constant 16 : i32
        %scan3A_365 = arith.addi %scan3A_363, %scan3A_364 : i32
        %scan3A_366 = arith.constant 1 : i32
        scf.for %scan3A_368 = %scan3A_363 to %scan3A_365 step %scan3A_366  : i32 {
          %broadcast_in_dim3A = vector.broadcast %scan3A_368 : i32 to vector<16x1xi32>
          %gather3A = vector.shape_cast %broadcast_in_dim3A : vector<16x1xi32> to vector<16xi32>
          %gather3A_369 = tpu.dynamic_gather %get3A_362[%gather3A] in [0] : vector<16xi32>, vector<16xi32> -> vector<16xi32>
          %convert_element_type3A = arith.sitofp %gather3A_369 : vector<16xi32> to vector<16xf32>
          %mul3A_370 = arith.constant 16 : i32
          %mul3A_371 = arith.muli %scan3A_356, %mul3A_370 : i32
          %add3A_372 = arith.addi %mul3A_371, %scan3A_368 : i32
          %mul3A_373 = arith.constant 128 : i32
          %mul3A_374 = arith.muli %add3A_372, %mul3A_373 : i32
          %mul3A_375 = arith.mulf %convert_element_type3A, %sub3A : vector<16xf32>
          %add3A_376 = arith.addf %get3A_6, %mul3A_375 : vector<16xf32>
          %add3A_377 = arith.constant 0 : i32
          %add3A_378 = arith.addi %mul3A_374, %add3A_377 : i32
          %swap3A = arith.index_cast %add3A_378 : i32 to index
          %swap3A_379 = tpu.vector_load %arg14[%swap3A] {strides = array<i32>} : memref<16384xf32, #tpu.memory_space<vmem>>, vector<16xf32>,
          %swap3A_380 = vector.shape_cast %swap3A_379 : vector<16xf32> to vector<16xf32>
          %swap3A_381 = vector.shape_cast %add3A_376 : vector<16xf32> to vector<16xf32>
          tpu.vector_store %arg14[%swap3A], %swap3A_381 {strides = array<i32>} : memref<16384xf32, #tpu.memory_space<vmem>>, vector<16xf32>,
          %mul3A_382 = arith.mulf %convert_element_type3A, %sub3A_34 : vector<16xf32>
          %add3A_383 = arith.addf %get3A_9, %mul3A_382 : vector<16xf32>
          %add3A_384 = arith.constant 16 : i32
          %add3A_385 = arith.addi %mul3A_374, %add3A_384 : i32
          %swap3A_386 = arith.index_cast %add3A_385 : i32 to index
          %swap3A_387 = tpu.vector_load %arg14[%swap3A_386] {strides = array<i32>} : memref<16384xf32, #tpu.memory_space<vmem>>, vector<16xf32>,
          %swap3A_388 = vector.shape_cast %swap3A_387 : vector<16xf32> to vector<16xf32>
          %swap3A_389 = vector.shape_cast %add3A_383 : vector<16xf32> to vector<16xf32>
          tpu.vector_store %arg14[%swap3A_386], %swap3A_389 {strides = array<i32>} : memref<16384xf32, #tpu.memory_space<vmem>>, vector<16xf32>,
          %mul3A_390 = arith.mulf %convert_element_type3A, %sub3A_38 : vector<16xf32>
          %add3A_391 = arith.addf %get3A_12, %mul3A_390 : vector<16xf32>
          %add3A_392 = arith.constant 32 : i32
          %add3A_393 = arith.addi %mul3A_374, %add3A_392 : i32
          %swap3A_394 = arith.index_cast %add3A_393 : i32 to index
          %swap3A_395 = tpu.vector_load %arg14[%swap3A_394] {strides = array<i32>} : memref<16384xf32, #tpu.memory_space<vmem>>, vector<16xf32>,
          %swap3A_396 = vector.shape_cast %swap3A_395 : vector<16xf32> to vector<16xf32>
          %swap3A_397 = vector.shape_cast %add3A_391 : vector<16xf32> to vector<16xf32>
          tpu.vector_store %arg14[%swap3A_394], %swap3A_397 {strides = array<i32>} : memref<16384xf32, #tpu.memory_space<vmem>>, vector<16xf32>,
          %mul3A_398 = arith.mulf %convert_element_type3A, %sub3A_42 : vector<16xf32>
          %add3A_399 = arith.addf %get3A_15, %mul3A_398 : vector<16xf32>
          %add3A_400 = arith.constant 48 : i32
          %add3A_401 = arith.addi %mul3A_374, %add3A_400 : i32
          %swap3A_402 = arith.index_cast %add3A_401 : i32 to index
          %swap3A_403 = tpu.vector_load %arg14[%swap3A_402] {strides = array<i32>} : memref<16384xf32, #tpu.memory_space<vmem>>, vector<16xf32>,
          %swap3A_404 = vector.shape_cast %swap3A_403 : vector<16xf32> to vector<16xf32>
          %swap3A_405 = vector.shape_cast %add3A_399 : vector<16xf32> to vector<16xf32>
          tpu.vector_store %arg14[%swap3A_402], %swap3A_405 {strides = array<i32>} : memref<16384xf32, #tpu.memory_space<vmem>>, vector<16xf32>,
          %mul3A_406 = arith.mulf %convert_element_type3A, %sub3A_46 : vector<16xf32>
          %add3A_407 = arith.addf %get3A_18, %mul3A_406 : vector<16xf32>
          %add3A_408 = arith.constant 64 : i32
          %add3A_409 = arith.addi %mul3A_374, %add3A_408 : i32
          %swap3A_410 = arith.index_cast %add3A_409 : i32 to index
          %swap3A_411 = tpu.vector_load %arg14[%swap3A_410] {strides = array<i32>} : memref<16384xf32, #tpu.memory_space<vmem>>, vector<16xf32>,
          %swap3A_412 = vector.shape_cast %swap3A_411 : vector<16xf32> to vector<16xf32>
          %swap3A_413 = vector.shape_cast %add3A_407 : vector<16xf32> to vector<16xf32>
          tpu.vector_store %arg14[%swap3A_410], %swap3A_413 {strides = array<i32>} : memref<16384xf32, #tpu.memory_space<vmem>>, vector<16xf32>,
          %mul3A_414 = arith.mulf %convert_element_type3A, %sub3A_50 : vector<16xf32>
          %add3A_415 = arith.addf %get3A_21, %mul3A_414 : vector<16xf32>
          %add3A_416 = arith.constant 80 : i32
          %add3A_417 = arith.addi %mul3A_374, %add3A_416 : i32
          %swap3A_418 = arith.index_cast %add3A_417 : i32 to index
          %swap3A_419 = tpu.vector_load %arg14[%swap3A_418] {strides = array<i32>} : memref<16384xf32, #tpu.memory_space<vmem>>, vector<16xf32>,
          %swap3A_420 = vector.shape_cast %swap3A_419 : vector<16xf32> to vector<16xf32>
          %swap3A_421 = vector.shape_cast %add3A_415 : vector<16xf32> to vector<16xf32>
          tpu.vector_store %arg14[%swap3A_418], %swap3A_421 {strides = array<i32>} : memref<16384xf32, #tpu.memory_space<vmem>>, vector<16xf32>,
          %mul3A_422 = arith.mulf %convert_element_type3A, %sub3A_54 : vector<16xf32>
          %add3A_423 = arith.addf %get3A_24, %mul3A_422 : vector<16xf32>
          %add3A_424 = arith.constant 96 : i32
          %add3A_425 = arith.addi %mul3A_374, %add3A_424 : i32
          %swap3A_426 = arith.index_cast %add3A_425 : i32 to index
          %swap3A_427 = tpu.vector_load %arg14[%swap3A_426] {strides = array<i32>} : memref<16384xf32, #tpu.memory_space<vmem>>, vector<16xf32>,
          %swap3A_428 = vector.shape_cast %swap3A_427 : vector<16xf32> to vector<16xf32>
          %swap3A_429 = vector.shape_cast %add3A_423 : vector<16xf32> to vector<16xf32>
          tpu.vector_store %arg14[%swap3A_426], %swap3A_429 {strides = array<i32>} : memref<16384xf32, #tpu.memory_space<vmem>>, vector<16xf32>,
          %mul3A_430 = arith.mulf %convert_element_type3A, %sub3A_58 : vector<16xf32>
          %add3A_431 = arith.addf %get3A_27, %mul3A_430 : vector<16xf32>
          %add3A_432 = arith.constant 112 : i32
          %add3A_433 = arith.addi %mul3A_374, %add3A_432 : i32
          %swap3A_434 = arith.index_cast %add3A_433 : i32 to index
          %swap3A_435 = tpu.vector_load %arg14[%swap3A_434] {strides = array<i32>} : memref<16384xf32, #tpu.memory_space<vmem>>, vector<16xf32>,
          %swap3A_436 = vector.shape_cast %swap3A_435 : vector<16xf32> to vector<16xf32>
          %swap3A_437 = vector.shape_cast %add3A_431 : vector<16xf32> to vector<16xf32>
          tpu.vector_store %arg14[%swap3A_434], %swap3A_437 {strides = array<i32>} : memref<16384xf32, #tpu.memory_space<vmem>>, vector<16xf32>,
        }
        %scan3A_367 = arith.constant 16 : i32
      }
      %scan3A_264 = arith.constant 8 : i32
      %dma_wait3A_265 = arith.constant 0 : i32
      %dma_wait3A_266 = arith.constant 0 : i32
      %dma_wait3A_267 = tpu.memref_slice %arg15[%dma_wait3A_265, %dma_wait3A_266] : memref<128x256xf32, #tpu.memory_space<vmem>> -> memref<128x128xf32, #tpu.memory_space<vmem>>
      %dma_wait3A_268 = arith.constant 0 : i32
      %dma_wait3A_269 = tpu.memref_slice %arg8[%dma_wait3A_268] : memref<10000xi32, #tpu.memory_space<vmem>> -> memref<128xi32, #tpu.memory_space<vmem>>
      %dma_wait3A_270 = arith.constant 0 : i32
      %dma_wait3A_271 = arith.constant 0 : i32
      %dma_wait3A_272 = tpu.memref_slice %arg2[%dma_wait3A_270, %dma_wait3A_271] : memref<10000x128xf32, #tpu.memory_space<hbm>> -> memref<10000x128xf32, #tpu.memory_space<hbm>>
      tpu.wait_indirect_dma semaphore(%arg17 : memref<!tpu.dma_semaphore, #tpu.memory_space<semaphore_mem>>) src(%dma_wait3A_272 : memref<10000x128xf32, #tpu.memory_space<hbm>>) dst(%dma_wait3A_267 : memref<128x128xf32, #tpu.memory_space<vmem>>)
      %dma_wait3A_273 = arith.constant 0 : i32
      %dma_wait3A_274 = arith.constant 128 : i32
      %dma_wait3A_275 = tpu.memref_slice %arg15[%dma_wait3A_273, %dma_wait3A_274] : memref<128x256xf32, #tpu.memory_space<vmem>> -> memref<128x128xf32, #tpu.memory_space<vmem>>
      %dma_wait3A_276 = arith.constant 0 : i32
      %dma_wait3A_277 = tpu.memref_slice %arg9[%dma_wait3A_276] : memref<10000xi32, #tpu.memory_space<vmem>> -> memref<128xi32, #tpu.memory_space<vmem>>
      %dma_wait3A_278 = arith.constant 0 : i32
      %dma_wait3A_279 = arith.constant 0 : i32
      %dma_wait3A_280 = tpu.memref_slice %arg2[%dma_wait3A_278, %dma_wait3A_279] : memref<10000x128xf32, #tpu.memory_space<hbm>> -> memref<10000x128xf32, #tpu.memory_space<hbm>>
      tpu.wait_indirect_dma semaphore(%arg17 : memref<!tpu.dma_semaphore, #tpu.memory_space<semaphore_mem>>) src(%dma_wait3A_280 : memref<10000x128xf32, #tpu.memory_space<hbm>>) dst(%dma_wait3A_275 : memref<128x128xf32, #tpu.memory_space<vmem>>)
      %add3A_281 = arith.constant 1 : i32
      %add3A_282 = arith.addi %mul3A_227, %add3A_281 : i32
      %mul3A_283 = arith.constant 128 : i32
      %mul3A_284 = arith.muli %add3A_282, %mul3A_283 : i32
      %add3A_285 = arith.addi %mul3A_2, %mul3A_284 : i32
      %mul3A_286 = arith.constant 128 : i32
      %mul3A_287 = arith.muli %add3A_285, %mul3A_286 : i32
      %dma_start3A_288 = tpu.memref_slice %arg6[%mul3A_287] : memref<40960000xf32, #tpu.memory_space<hbm>> -> memref<16384xf32, #tpu.memory_space<hbm>>
      %dma_start3A_289 = tpu.memref_slice %arg6[%mul3A_287] : memref<40960000xf32, #tpu.memory_space<hbm>> -> memref<16384xf32, #tpu.memory_space<hbm>>
      tpu.enqueue_dma source(%arg14 : memref<16384xf32, #tpu.memory_space<vmem>>) target(%dma_start3A_289 : memref<16384xf32, #tpu.memory_space<hbm>>) target_semaphore(%arg19 : memref<!tpu.dma_semaphore, #tpu.memory_space<semaphore_mem>>)
      %dma_start3A_290 = arith.constant 0 : i32
      %dma_start3A_291 = tpu.memref_slice %arg7[%add3A_285, %dma_start3A_290] : memref<320000x256xf32, #tpu.memory_space<hbm>> -> memref<128x256xf32, #tpu.memory_space<hbm>>
      %dma_start3A_292 = arith.constant 0 : i32
      %dma_start3A_293 = tpu.memref_slice %arg7[%add3A_285, %dma_start3A_292] : memref<320000x256xf32, #tpu.memory_space<hbm>> -> memref<128x256xf32, #tpu.memory_space<hbm>>
      tpu.enqueue_dma source(%arg15 : memref<128x256xf32, #tpu.memory_space<vmem>>) target(%dma_start3A_293 : memref<128x256xf32, #tpu.memory_space<hbm>>) target_semaphore(%arg19 : memref<!tpu.dma_semaphore, #tpu.memory_space<semaphore_mem>>)
      %dma_wait3A_294 = arith.constant 0 : i32
      %dma_wait3A_295 = tpu.memref_slice %arg6[%dma_wait3A_294] : memref<40960000xf32, #tpu.memory_space<hbm>> -> memref<16384xf32, #tpu.memory_space<hbm>>
      %dma_wait3A_296 = arith.constant 0 : i32
      %dma_wait3A_297 = tpu.memref_slice %arg6[%dma_wait3A_296] : memref<40960000xf32, #tpu.memory_space<hbm>> -> memref<16384xf32, #tpu.memory_space<hbm>>
      tpu.wait_dma2 semaphore(%arg18 : memref<!tpu.dma_semaphore, #tpu.memory_space<semaphore_mem>>) src(%arg12 : memref<16384xf32, #tpu.memory_space<vmem>>) dst(%dma_wait3A_297 : memref<16384xf32, #tpu.memory_space<hbm>>)
      %dma_wait3A_298 = arith.constant 0 : i32
      %dma_wait3A_299 = tpu.memref_slice %arg7[%mul3A_2, %dma_wait3A_298] : memref<320000x256xf32, #tpu.memory_space<hbm>> -> memref<128x256xf32, #tpu.memory_space<hbm>>
      %dma_wait3A_300 = arith.constant 0 : i32
      %dma_wait3A_301 = tpu.memref_slice %arg7[%mul3A_2, %dma_wait3A_300] : memref<320000x256xf32, #tpu.memory_space<hbm>> -> memref<128x256xf32, #tpu.memory_space<hbm>>
      tpu.wait_dma2 semaphore(%arg18 : memref<!tpu.dma_semaphore, #tpu.memory_space<semaphore_mem>>) src(%arg13 : memref<128x256xf32, #tpu.memory_space<vmem>>) dst(%dma_wait3A_301 : memref<128x256xf32, #tpu.memory_space<hbm>>)
      %add3A_302 = arith.constant 2 : i32
      %add3A_303 = arith.addi %mul3A_227, %add3A_302 : i32
      %mul3A_304 = arith.constant 128 : i32
      %mul3A_305 = arith.muli %add3A_303, %mul3A_304 : i32
      %dma_start3A_306 = arith.constant 0 : i32
      %dma_start3A_307 = arith.constant 0 : i32
      %dma_start3A_308 = tpu.memref_slice %arg13[%dma_start3A_306, %dma_start3A_307] : memref<128x256xf32, #tpu.memory_space<vmem>> -> memref<128x128xf32, #tpu.memory_space<vmem>>
      %dma_start3A_309 = tpu.memref_slice %arg8[%mul3A_305] : memref<10000xi32, #tpu.memory_space<vmem>> -> memref<128xi32, #tpu.memory_space<vmem>>
      %dma_start3A_310 = arith.constant 0 : i32
      %dma_start3A_311 = arith.constant 0 : i32
      %dma_start3A_312 = tpu.memref_slice %arg2[%dma_start3A_310, %dma_start3A_311] : memref<10000x128xf32, #tpu.memory_space<hbm>> -> memref<10000x128xf32, #tpu.memory_space<hbm>>
      tpu.enqueue_indirect_dma source(%dma_start3A_312 : memref<10000x128xf32, #tpu.memory_space<hbm>>) target(%dma_start3A_308 : memref<128x128xf32, #tpu.memory_space<vmem>>) offsets(%dma_start3A_309 : memref<128xi32, #tpu.memory_space<vmem>>) semaphore(%arg16 : memref<!tpu.dma_semaphore, #tpu.memory_space<semaphore_mem>>)
      %dma_start3A_313 = arith.constant 0 : i32
      %dma_start3A_314 = arith.constant 128 : i32
      %dma_start3A_315 = tpu.memref_slice %arg13[%dma_start3A_313, %dma_start3A_314] : memref<128x256xf32, #tpu.memory_space<vmem>> -> memref<128x128xf32, #tpu.memory_space<vmem>>
      %dma_start3A_316 = tpu.memref_slice %arg9[%mul3A_305] : memref<10000xi32, #tpu.memory_space<vmem>> -> memref<128xi32, #tpu.memory_space<vmem>>
      %dma_start3A_317 = arith.constant 0 : i32
      %dma_start3A_318 = arith.constant 0 : i32
      %dma_start3A_319 = tpu.memref_slice %arg2[%dma_start3A_317, %dma_start3A_318] : memref<10000x128xf32, #tpu.memory_space<hbm>> -> memref<10000x128xf32, #tpu.memory_space<hbm>>
      tpu.enqueue_indirect_dma source(%dma_start3A_319 : memref<10000x128xf32, #tpu.memory_space<hbm>>) target(%dma_start3A_315 : memref<128x128xf32, #tpu.memory_space<vmem>>) offsets(%dma_start3A_316 : memref<128xi32, #tpu.memory_space<vmem>>) semaphore(%arg16 : memref<!tpu.dma_semaphore, #tpu.memory_space<semaphore_mem>>)
      %add3A_320 = arith.constant 2 : i32
      %add3A_321 = arith.addi %mul3A_227, %add3A_320 : i32
      %mul3A_322 = arith.constant 128 : i32
      %mul3A_323 = arith.muli %add3A_321, %mul3A_322 : i32
      %scan3A_324 = arith.constant 0 : i32
      %scan3A_325 = arith.constant 0 : i32
      %scan3A_326 = arith.constant 8 : i32
      %scan3A_327 = arith.addi %scan3A_325, %scan3A_326 : i32
      %scan3A_328 = arith.constant 1 : i32
      scf.for %scan3A_356 = %scan3A_325 to %scan3A_327 step %scan3A_328  : i32 {
        %mul3A_357 = arith.constant 16 : i32
        %mul3A_358 = arith.muli %scan3A_356, %mul3A_357 : i32
        %add3A_359 = arith.addi %mul3A_323, %mul3A_358 : i32
        %get3A_360 = arith.index_cast %add3A_359 : i32 to index
        %get3A_361 = tpu.vector_load %arg10[%get3A_360] {strides = array<i32>} : memref<10000xi32, #tpu.memory_space<vmem>>, vector<16xi32>,
        %get3A_362 = vector.shape_cast %get3A_361 : vector<16xi32> to vector<16xi32>
        %scan3A_363 = arith.constant 0 : i32
        %scan3A_364 = arith.constant 16 : i32
        %scan3A_365 = arith.addi %scan3A_363, %scan3A_364 : i32
        %scan3A_366 = arith.constant 1 : i32
        scf.for %scan3A_368 = %scan3A_363 to %scan3A_365 step %scan3A_366  : i32 {
          %broadcast_in_dim3A = vector.broadcast %scan3A_368 : i32 to vector<16x1xi32>
          %gather3A = vector.shape_cast %broadcast_in_dim3A : vector<16x1xi32> to vector<16xi32>
          %gather3A_369 = tpu.dynamic_gather %get3A_362[%gather3A] in [0] : vector<16xi32>, vector<16xi32> -> vector<16xi32>
          %convert_element_type3A = arith.sitofp %gather3A_369 : vector<16xi32> to vector<16xf32>
          %mul3A_370 = arith.constant 16 : i32
          %mul3A_371 = arith.muli %scan3A_356, %mul3A_370 : i32
          %add3A_372 = arith.addi %mul3A_371, %scan3A_368 : i32
          %mul3A_373 = arith.constant 128 : i32
          %mul3A_374 = arith.muli %add3A_372, %mul3A_373 : i32
          %mul3A_375 = arith.mulf %convert_element_type3A, %sub3A : vector<16xf32>
          %add3A_376 = arith.addf %get3A_6, %mul3A_375 : vector<16xf32>
          %add3A_377 = arith.constant 0 : i32
          %add3A_378 = arith.addi %mul3A_374, %add3A_377 : i32
          %swap3A = arith.index_cast %add3A_378 : i32 to index
          %swap3A_379 = tpu.vector_load %arg12[%swap3A] {strides = array<i32>} : memref<16384xf32, #tpu.memory_space<vmem>>, vector<16xf32>,
          %swap3A_380 = vector.shape_cast %swap3A_379 : vector<16xf32> to vector<16xf32>
          %swap3A_381 = vector.shape_cast %add3A_376 : vector<16xf32> to vector<16xf32>
          tpu.vector_store %arg12[%swap3A], %swap3A_381 {strides = array<i32>} : memref<16384xf32, #tpu.memory_space<vmem>>, vector<16xf32>,
          %mul3A_382 = arith.mulf %convert_element_type3A, %sub3A_34 : vector<16xf32>
          %add3A_383 = arith.addf %get3A_9, %mul3A_382 : vector<16xf32>
          %add3A_384 = arith.constant 16 : i32
          %add3A_385 = arith.addi %mul3A_374, %add3A_384 : i32
          %swap3A_386 = arith.index_cast %add3A_385 : i32 to index
          %swap3A_387 = tpu.vector_load %arg12[%swap3A_386] {strides = array<i32>} : memref<16384xf32, #tpu.memory_space<vmem>>, vector<16xf32>,
          %swap3A_388 = vector.shape_cast %swap3A_387 : vector<16xf32> to vector<16xf32>
          %swap3A_389 = vector.shape_cast %add3A_383 : vector<16xf32> to vector<16xf32>
          tpu.vector_store %arg12[%swap3A_386], %swap3A_389 {strides = array<i32>} : memref<16384xf32, #tpu.memory_space<vmem>>, vector<16xf32>,
          %mul3A_390 = arith.mulf %convert_element_type3A, %sub3A_38 : vector<16xf32>
          %add3A_391 = arith.addf %get3A_12, %mul3A_390 : vector<16xf32>
          %add3A_392 = arith.constant 32 : i32
          %add3A_393 = arith.addi %mul3A_374, %add3A_392 : i32
          %swap3A_394 = arith.index_cast %add3A_393 : i32 to index
          %swap3A_395 = tpu.vector_load %arg12[%swap3A_394] {strides = array<i32>} : memref<16384xf32, #tpu.memory_space<vmem>>, vector<16xf32>,
          %swap3A_396 = vector.shape_cast %swap3A_395 : vector<16xf32> to vector<16xf32>
          %swap3A_397 = vector.shape_cast %add3A_391 : vector<16xf32> to vector<16xf32>
          tpu.vector_store %arg12[%swap3A_394], %swap3A_397 {strides = array<i32>} : memref<16384xf32, #tpu.memory_space<vmem>>, vector<16xf32>,
          %mul3A_398 = arith.mulf %convert_element_type3A, %sub3A_42 : vector<16xf32>
          %add3A_399 = arith.addf %get3A_15, %mul3A_398 : vector<16xf32>
          %add3A_400 = arith.constant 48 : i32
          %add3A_401 = arith.addi %mul3A_374, %add3A_400 : i32
          %swap3A_402 = arith.index_cast %add3A_401 : i32 to index
          %swap3A_403 = tpu.vector_load %arg12[%swap3A_402] {strides = array<i32>} : memref<16384xf32, #tpu.memory_space<vmem>>, vector<16xf32>,
          %swap3A_404 = vector.shape_cast %swap3A_403 : vector<16xf32> to vector<16xf32>
          %swap3A_405 = vector.shape_cast %add3A_399 : vector<16xf32> to vector<16xf32>
          tpu.vector_store %arg12[%swap3A_402], %swap3A_405 {strides = array<i32>} : memref<16384xf32, #tpu.memory_space<vmem>>, vector<16xf32>,
          %mul3A_406 = arith.mulf %convert_element_type3A, %sub3A_46 : vector<16xf32>
          %add3A_407 = arith.addf %get3A_18, %mul3A_406 : vector<16xf32>
          %add3A_408 = arith.constant 64 : i32
          %add3A_409 = arith.addi %mul3A_374, %add3A_408 : i32
          %swap3A_410 = arith.index_cast %add3A_409 : i32 to index
          %swap3A_411 = tpu.vector_load %arg12[%swap3A_410] {strides = array<i32>} : memref<16384xf32, #tpu.memory_space<vmem>>, vector<16xf32>,
          %swap3A_412 = vector.shape_cast %swap3A_411 : vector<16xf32> to vector<16xf32>
          %swap3A_413 = vector.shape_cast %add3A_407 : vector<16xf32> to vector<16xf32>
          tpu.vector_store %arg12[%swap3A_410], %swap3A_413 {strides = array<i32>} : memref<16384xf32, #tpu.memory_space<vmem>>, vector<16xf32>,
          %mul3A_414 = arith.mulf %convert_element_type3A, %sub3A_50 : vector<16xf32>
          %add3A_415 = arith.addf %get3A_21, %mul3A_414 : vector<16xf32>
          %add3A_416 = arith.constant 80 : i32
          %add3A_417 = arith.addi %mul3A_374, %add3A_416 : i32
          %swap3A_418 = arith.index_cast %add3A_417 : i32 to index
          %swap3A_419 = tpu.vector_load %arg12[%swap3A_418] {strides = array<i32>} : memref<16384xf32, #tpu.memory_space<vmem>>, vector<16xf32>,
          %swap3A_420 = vector.shape_cast %swap3A_419 : vector<16xf32> to vector<16xf32>
          %swap3A_421 = vector.shape_cast %add3A_415 : vector<16xf32> to vector<16xf32>
          tpu.vector_store %arg12[%swap3A_418], %swap3A_421 {strides = array<i32>} : memref<16384xf32, #tpu.memory_space<vmem>>, vector<16xf32>,
          %mul3A_422 = arith.mulf %convert_element_type3A, %sub3A_54 : vector<16xf32>
          %add3A_423 = arith.addf %get3A_24, %mul3A_422 : vector<16xf32>
          %add3A_424 = arith.constant 96 : i32
          %add3A_425 = arith.addi %mul3A_374, %add3A_424 : i32
          %swap3A_426 = arith.index_cast %add3A_425 : i32 to index
          %swap3A_427 = tpu.vector_load %arg12[%swap3A_426] {strides = array<i32>} : memref<16384xf32, #tpu.memory_space<vmem>>, vector<16xf32>,
          %swap3A_428 = vector.shape_cast %swap3A_427 : vector<16xf32> to vector<16xf32>
          %swap3A_429 = vector.shape_cast %add3A_423 : vector<16xf32> to vector<16xf32>
          tpu.vector_store %arg12[%swap3A_426], %swap3A_429 {strides = array<i32>} : memref<16384xf32, #tpu.memory_space<vmem>>, vector<16xf32>,
          %mul3A_430 = arith.mulf %convert_element_type3A, %sub3A_58 : vector<16xf32>
          %add3A_431 = arith.addf %get3A_27, %mul3A_430 : vector<16xf32>
          %add3A_432 = arith.constant 112 : i32
          %add3A_433 = arith.addi %mul3A_374, %add3A_432 : i32
          %swap3A_434 = arith.index_cast %add3A_433 : i32 to index
          %swap3A_435 = tpu.vector_load %arg12[%swap3A_434] {strides = array<i32>} : memref<16384xf32, #tpu.memory_space<vmem>>, vector<16xf32>,
          %swap3A_436 = vector.shape_cast %swap3A_435 : vector<16xf32> to vector<16xf32>
          %swap3A_437 = vector.shape_cast %add3A_431 : vector<16xf32> to vector<16xf32>
          tpu.vector_store %arg12[%swap3A_434], %swap3A_437 {strides = array<i32>} : memref<16384xf32, #tpu.memory_space<vmem>>, vector<16xf32>,
        }
        %scan3A_367 = arith.constant 16 : i32
      }
      %scan3A_329 = arith.constant 8 : i32
      %dma_wait3A_330 = arith.constant 0 : i32
      %dma_wait3A_331 = tpu.memref_slice %arg6[%dma_wait3A_330] : memref<40960000xf32, #tpu.memory_space<hbm>> -> memref<16384xf32, #tpu.memory_space<hbm>>
      %dma_wait3A_332 = arith.constant 0 : i32
      %dma_wait3A_333 = tpu.memref_slice %arg6[%dma_wait3A_332] : memref<40960000xf32, #tpu.memory_space<hbm>> -> memref<16384xf32, #tpu.memory_space<hbm>>
      tpu.wait_dma2 semaphore(%arg19 : memref<!tpu.dma_semaphore, #tpu.memory_space<semaphore_mem>>) src(%arg14 : memref<16384xf32, #tpu.memory_space<vmem>>) dst(%dma_wait3A_333 : memref<16384xf32, #tpu.memory_space<hbm>>)
      %dma_wait3A_334 = arith.constant 0 : i32
      %dma_wait3A_335 = tpu.memref_slice %arg7[%mul3A_2, %dma_wait3A_334] : memref<320000x256xf32, #tpu.memory_space<hbm>> -> memref<128x256xf32, #tpu.memory_space<hbm>>
      %dma_wait3A_336 = arith.constant 0 : i32
      %dma_wait3A_337 = tpu.memref_slice %arg7[%mul3A_2, %dma_wait3A_336] : memref<320000x256xf32, #tpu.memory_space<hbm>> -> memref<128x256xf32, #tpu.memory_space<hbm>>
      tpu.wait_dma2 semaphore(%arg19 : memref<!tpu.dma_semaphore, #tpu.memory_space<semaphore_mem>>) src(%arg15 : memref<128x256xf32, #tpu.memory_space<vmem>>) dst(%dma_wait3A_337 : memref<128x256xf32, #tpu.memory_space<hbm>>)
      %add3A_338 = arith.constant 3 : i32
      %add3A_339 = arith.addi %mul3A_227, %add3A_338 : i32
      %mul3A_340 = arith.constant 128 : i32
      %mul3A_341 = arith.muli %add3A_339, %mul3A_340 : i32
      %dma_start3A_342 = arith.constant 0 : i32
      %dma_start3A_343 = arith.constant 0 : i32
      %dma_start3A_344 = tpu.memref_slice %arg15[%dma_start3A_342, %dma_start3A_343] : memref<128x256xf32, #tpu.memory_space<vmem>> -> memref<128x128xf32, #tpu.memory_space<vmem>>
      %dma_start3A_345 = tpu.memref_slice %arg8[%mul3A_341] : memref<10000xi32, #tpu.memory_space<vmem>> -> memref<128xi32, #tpu.memory_space<vmem>>
      %dma_start3A_346 = arith.constant 0 : i32
      %dma_start3A_347 = arith.constant 0 : i32
      %dma_start3A_348 = tpu.memref_slice %arg2[%dma_start3A_346, %dma_start3A_347] : memref<10000x128xf32, #tpu.memory_space<hbm>> -> memref<10000x128xf32, #tpu.memory_space<hbm>>
      tpu.enqueue_indirect_dma source(%dma_start3A_348 : memref<10000x128xf32, #tpu.memory_space<hbm>>) target(%dma_start3A_344 : memref<128x128xf32, #tpu.memory_space<vmem>>) offsets(%dma_start3A_345 : memref<128xi32, #tpu.memory_space<vmem>>) semaphore(%arg17 : memref<!tpu.dma_semaphore, #tpu.memory_space<semaphore_mem>>)
      %dma_start3A_349 = arith.constant 0 : i32
      %dma_start3A_350 = arith.constant 128 : i32
      %dma_start3A_351 = tpu.memref_slice %arg15[%dma_start3A_349, %dma_start3A_350] : memref<128x256xf32, #tpu.memory_space<vmem>> -> memref<128x128xf32, #tpu.memory_space<vmem>>
      %dma_start3A_352 = tpu.memref_slice %arg9[%mul3A_341] : memref<10000xi32, #tpu.memory_space<vmem>> -> memref<128xi32, #tpu.memory_space<vmem>>
      %dma_start3A_353 = arith.constant 0 : i32
      %dma_start3A_354 = arith.constant 0 : i32
      %dma_start3A_355 = tpu.memref_slice %arg2[%dma_start3A_353, %dma_start3A_354] : memref<10000x128xf32, #tpu.memory_space<hbm>> -> memref<10000x128xf32, #tpu.memory_space<hbm>>
      tpu.enqueue_indirect_dma source(%dma_start3A_355 : memref<10000x128xf32, #tpu.memory_space<hbm>>) target(%dma_start3A_351 : memref<128x128xf32, #tpu.memory_space<vmem>>) offsets(%dma_start3A_352 : memref<128xi32, #tpu.memory_space<vmem>>) semaphore(%arg17 : memref<!tpu.dma_semaphore, #tpu.memory_space<semaphore_mem>>)
    }
    %scan3A_100 = arith.constant 38 : i32
    %dma_wait3A = arith.constant 0 : i32
    %dma_wait3A_101 = arith.constant 0 : i32
    %dma_wait3A_102 = tpu.memref_slice %arg13[%dma_wait3A, %dma_wait3A_101] : memref<128x256xf32, #tpu.memory_space<vmem>> -> memref<128x128xf32, #tpu.memory_space<vmem>>
    %dma_wait3A_103 = arith.constant 0 : i32
    %dma_wait3A_104 = tpu.memref_slice %arg8[%dma_wait3A_103] : memref<10000xi32, #tpu.memory_space<vmem>> -> memref<128xi32, #tpu.memory_space<vmem>>
    %dma_wait3A_105 = arith.constant 0 : i32
    %dma_wait3A_106 = arith.constant 0 : i32
    %dma_wait3A_107 = tpu.memref_slice %arg2[%dma_wait3A_105, %dma_wait3A_106] : memref<10000x128xf32, #tpu.memory_space<hbm>> -> memref<10000x128xf32, #tpu.memory_space<hbm>>
    tpu.wait_indirect_dma semaphore(%arg16 : memref<!tpu.dma_semaphore, #tpu.memory_space<semaphore_mem>>) src(%dma_wait3A_107 : memref<10000x128xf32, #tpu.memory_space<hbm>>) dst(%dma_wait3A_102 : memref<128x128xf32, #tpu.memory_space<vmem>>)
    %dma_wait3A_108 = arith.constant 0 : i32
    %dma_wait3A_109 = arith.constant 128 : i32
    %dma_wait3A_110 = tpu.memref_slice %arg13[%dma_wait3A_108, %dma_wait3A_109] : memref<128x256xf32, #tpu.memory_space<vmem>> -> memref<128x128xf32, #tpu.memory_space<vmem>>
    %dma_wait3A_111 = arith.constant 0 : i32
    %dma_wait3A_112 = tpu.memref_slice %arg9[%dma_wait3A_111] : memref<10000xi32, #tpu.memory_space<vmem>> -> memref<128xi32, #tpu.memory_space<vmem>>
    %dma_wait3A_113 = arith.constant 0 : i32
    %dma_wait3A_114 = arith.constant 0 : i32
    %dma_wait3A_115 = tpu.memref_slice %arg2[%dma_wait3A_113, %dma_wait3A_114] : memref<10000x128xf32, #tpu.memory_space<hbm>> -> memref<10000x128xf32, #tpu.memory_space<hbm>>
    tpu.wait_indirect_dma semaphore(%arg16 : memref<!tpu.dma_semaphore, #tpu.memory_space<semaphore_mem>>) src(%dma_wait3A_115 : memref<10000x128xf32, #tpu.memory_space<hbm>>) dst(%dma_wait3A_110 : memref<128x128xf32, #tpu.memory_space<vmem>>)
    %add3A_116 = arith.constant 9728 : i32
    %add3A_117 = arith.addi %mul3A_2, %add3A_116 : i32
    %mul3A_118 = arith.constant 128 : i32
    %mul3A_119 = arith.muli %add3A_117, %mul3A_118 : i32
    %dma_start3A_120 = tpu.memref_slice %arg6[%mul3A_119] : memref<40960000xf32, #tpu.memory_space<hbm>> -> memref<16384xf32, #tpu.memory_space<hbm>>
    %dma_start3A_121 = tpu.memref_slice %arg6[%mul3A_119] : memref<40960000xf32, #tpu.memory_space<hbm>> -> memref<16384xf32, #tpu.memory_space<hbm>>
    tpu.enqueue_dma source(%arg12 : memref<16384xf32, #tpu.memory_space<vmem>>) target(%dma_start3A_121 : memref<16384xf32, #tpu.memory_space<hbm>>) target_semaphore(%arg18 : memref<!tpu.dma_semaphore, #tpu.memory_space<semaphore_mem>>)
    %dma_start3A_122 = arith.constant 0 : i32
    %dma_start3A_123 = tpu.memref_slice %arg7[%add3A_117, %dma_start3A_122] : memref<320000x256xf32, #tpu.memory_space<hbm>> -> memref<128x256xf32, #tpu.memory_space<hbm>>
    %dma_start3A_124 = arith.constant 0 : i32
    %dma_start3A_125 = tpu.memref_slice %arg7[%add3A_117, %dma_start3A_124] : memref<320000x256xf32, #tpu.memory_space<hbm>> -> memref<128x256xf32, #tpu.memory_space<hbm>>
    tpu.enqueue_dma source(%arg13 : memref<128x256xf32, #tpu.memory_space<vmem>>) target(%dma_start3A_125 : memref<128x256xf32, #tpu.memory_space<hbm>>) target_semaphore(%arg18 : memref<!tpu.dma_semaphore, #tpu.memory_space<semaphore_mem>>)
    %scan3A_126 = arith.constant 0 : i32
    %scan3A_127 = arith.constant 0 : i32
    %scan3A_128 = arith.constant 8 : i32
    %scan3A_129 = arith.addi %scan3A_127, %scan3A_128 : i32
    %scan3A_130 = arith.constant 1 : i32
    scf.for %scan3A_225 = %scan3A_127 to %scan3A_129 step %scan3A_130  : i32 {
      %mul3A_226 = arith.constant 16 : i32
      %mul3A_227 = arith.muli %scan3A_225, %mul3A_226 : i32
      %add3A_228 = arith.constant 9856 : i32
      %add3A_229 = arith.addi %add3A_228, %mul3A_227 : i32
      %get3A_230 = arith.index_cast %add3A_229 : i32 to index
      %get3A_231 = tpu.vector_load %arg10[%get3A_230] {strides = array<i32>} : memref<10000xi32, #tpu.memory_space<vmem>>, vector<16xi32>,
      %get3A_232 = vector.shape_cast %get3A_231 : vector<16xi32> to vector<16xi32>
      %scan3A_233 = arith.constant 0 : i32
      %scan3A_234 = arith.constant 16 : i32
      %scan3A_235 = arith.addi %scan3A_233, %scan3A_234 : i32
      %scan3A_236 = arith.constant 1 : i32
      scf.for %scan3A_238 = %scan3A_233 to %scan3A_235 step %scan3A_236  : i32 {
        %broadcast_in_dim3A = vector.broadcast %scan3A_238 : i32 to vector<16x1xi32>
        %gather3A = vector.shape_cast %broadcast_in_dim3A : vector<16x1xi32> to vector<16xi32>
        %gather3A_239 = tpu.dynamic_gather %get3A_232[%gather3A] in [0] : vector<16xi32>, vector<16xi32> -> vector<16xi32>
        %convert_element_type3A = arith.sitofp %gather3A_239 : vector<16xi32> to vector<16xf32>
        %mul3A_240 = arith.constant 16 : i32
        %mul3A_241 = arith.muli %scan3A_225, %mul3A_240 : i32
        %add3A_242 = arith.addi %mul3A_241, %scan3A_238 : i32
        %mul3A_243 = arith.constant 128 : i32
        %mul3A_244 = arith.muli %add3A_242, %mul3A_243 : i32
        %mul3A_245 = arith.mulf %convert_element_type3A, %sub3A : vector<16xf32>
        %add3A_246 = arith.addf %get3A_6, %mul3A_245 : vector<16xf32>
        %add3A_247 = arith.constant 0 : i32
        %add3A_248 = arith.addi %mul3A_244, %add3A_247 : i32
        %swap3A = arith.index_cast %add3A_248 : i32 to index
        %swap3A_249 = tpu.vector_load %arg14[%swap3A] {strides = array<i32>} : memref<16384xf32, #tpu.memory_space<vmem>>, vector<16xf32>,
        %swap3A_250 = vector.shape_cast %swap3A_249 : vector<16xf32> to vector<16xf32>
        %swap3A_251 = vector.shape_cast %add3A_246 : vector<16xf32> to vector<16xf32>
        tpu.vector_store %arg14[%swap3A], %swap3A_251 {strides = array<i32>} : memref<16384xf32, #tpu.memory_space<vmem>>, vector<16xf32>,
        %mul3A_252 = arith.mulf %convert_element_type3A, %sub3A_34 : vector<16xf32>
        %add3A_253 = arith.addf %get3A_9, %mul3A_252 : vector<16xf32>
        %add3A_254 = arith.constant 16 : i32
        %add3A_255 = arith.addi %mul3A_244, %add3A_254 : i32
        %swap3A_256 = arith.index_cast %add3A_255 : i32 to index
        %swap3A_257 = tpu.vector_load %arg14[%swap3A_256] {strides = array<i32>} : memref<16384xf32, #tpu.memory_space<vmem>>, vector<16xf32>,
        %swap3A_258 = vector.shape_cast %swap3A_257 : vector<16xf32> to vector<16xf32>
        %swap3A_259 = vector.shape_cast %add3A_253 : vector<16xf32> to vector<16xf32>
        tpu.vector_store %arg14[%swap3A_256], %swap3A_259 {strides = array<i32>} : memref<16384xf32, #tpu.memory_space<vmem>>, vector<16xf32>,
        %mul3A_260 = arith.mulf %convert_element_type3A, %sub3A_38 : vector<16xf32>
        %add3A_261 = arith.addf %get3A_12, %mul3A_260 : vector<16xf32>
        %add3A_262 = arith.constant 32 : i32
        %add3A_263 = arith.addi %mul3A_244, %add3A_262 : i32
        %swap3A_264 = arith.index_cast %add3A_263 : i32 to index
        %swap3A_265 = tpu.vector_load %arg14[%swap3A_264] {strides = array<i32>} : memref<16384xf32, #tpu.memory_space<vmem>>, vector<16xf32>,
        %swap3A_266 = vector.shape_cast %swap3A_265 : vector<16xf32> to vector<16xf32>
        %swap3A_267 = vector.shape_cast %add3A_261 : vector<16xf32> to vector<16xf32>
        tpu.vector_store %arg14[%swap3A_264], %swap3A_267 {strides = array<i32>} : memref<16384xf32, #tpu.memory_space<vmem>>, vector<16xf32>,
        %mul3A_268 = arith.mulf %convert_element_type3A, %sub3A_42 : vector<16xf32>
        %add3A_269 = arith.addf %get3A_15, %mul3A_268 : vector<16xf32>
        %add3A_270 = arith.constant 48 : i32
        %add3A_271 = arith.addi %mul3A_244, %add3A_270 : i32
        %swap3A_272 = arith.index_cast %add3A_271 : i32 to index
        %swap3A_273 = tpu.vector_load %arg14[%swap3A_272] {strides = array<i32>} : memref<16384xf32, #tpu.memory_space<vmem>>, vector<16xf32>,
        %swap3A_274 = vector.shape_cast %swap3A_273 : vector<16xf32> to vector<16xf32>
        %swap3A_275 = vector.shape_cast %add3A_269 : vector<16xf32> to vector<16xf32>
        tpu.vector_store %arg14[%swap3A_272], %swap3A_275 {strides = array<i32>} : memref<16384xf32, #tpu.memory_space<vmem>>, vector<16xf32>,
        %mul3A_276 = arith.mulf %convert_element_type3A, %sub3A_46 : vector<16xf32>
        %add3A_277 = arith.addf %get3A_18, %mul3A_276 : vector<16xf32>
        %add3A_278 = arith.constant 64 : i32
        %add3A_279 = arith.addi %mul3A_244, %add3A_278 : i32
        %swap3A_280 = arith.index_cast %add3A_279 : i32 to index
        %swap3A_281 = tpu.vector_load %arg14[%swap3A_280] {strides = array<i32>} : memref<16384xf32, #tpu.memory_space<vmem>>, vector<16xf32>,
        %swap3A_282 = vector.shape_cast %swap3A_281 : vector<16xf32> to vector<16xf32>
        %swap3A_283 = vector.shape_cast %add3A_277 : vector<16xf32> to vector<16xf32>
        tpu.vector_store %arg14[%swap3A_280], %swap3A_283 {strides = array<i32>} : memref<16384xf32, #tpu.memory_space<vmem>>, vector<16xf32>,
        %mul3A_284 = arith.mulf %convert_element_type3A, %sub3A_50 : vector<16xf32>
        %add3A_285 = arith.addf %get3A_21, %mul3A_284 : vector<16xf32>
        %add3A_286 = arith.constant 80 : i32
        %add3A_287 = arith.addi %mul3A_244, %add3A_286 : i32
        %swap3A_288 = arith.index_cast %add3A_287 : i32 to index
        %swap3A_289 = tpu.vector_load %arg14[%swap3A_288] {strides = array<i32>} : memref<16384xf32, #tpu.memory_space<vmem>>, vector<16xf32>,
        %swap3A_290 = vector.shape_cast %swap3A_289 : vector<16xf32> to vector<16xf32>
        %swap3A_291 = vector.shape_cast %add3A_285 : vector<16xf32> to vector<16xf32>
        tpu.vector_store %arg14[%swap3A_288], %swap3A_291 {strides = array<i32>} : memref<16384xf32, #tpu.memory_space<vmem>>, vector<16xf32>,
        %mul3A_292 = arith.mulf %convert_element_type3A, %sub3A_54 : vector<16xf32>
        %add3A_293 = arith.addf %get3A_24, %mul3A_292 : vector<16xf32>
        %add3A_294 = arith.constant 96 : i32
        %add3A_295 = arith.addi %mul3A_244, %add3A_294 : i32
        %swap3A_296 = arith.index_cast %add3A_295 : i32 to index
        %swap3A_297 = tpu.vector_load %arg14[%swap3A_296] {strides = array<i32>} : memref<16384xf32, #tpu.memory_space<vmem>>, vector<16xf32>,
        %swap3A_298 = vector.shape_cast %swap3A_297 : vector<16xf32> to vector<16xf32>
        %swap3A_299 = vector.shape_cast %add3A_293 : vector<16xf32> to vector<16xf32>
        tpu.vector_store %arg14[%swap3A_296], %swap3A_299 {strides = array<i32>} : memref<16384xf32, #tpu.memory_space<vmem>>, vector<16xf32>,
        %mul3A_300 = arith.mulf %convert_element_type3A, %sub3A_58 : vector<16xf32>
        %add3A_301 = arith.addf %get3A_27, %mul3A_300 : vector<16xf32>
        %add3A_302 = arith.constant 112 : i32
        %add3A_303 = arith.addi %mul3A_244, %add3A_302 : i32
        %swap3A_304 = arith.index_cast %add3A_303 : i32 to index
        %swap3A_305 = tpu.vector_load %arg14[%swap3A_304] {strides = array<i32>} : memref<16384xf32, #tpu.memory_space<vmem>>, vector<16xf32>,
        %swap3A_306 = vector.shape_cast %swap3A_305 : vector<16xf32> to vector<16xf32>
        %swap3A_307 = vector.shape_cast %add3A_301 : vector<16xf32> to vector<16xf32>
        tpu.vector_store %arg14[%swap3A_304], %swap3A_307 {strides = array<i32>} : memref<16384xf32, #tpu.memory_space<vmem>>, vector<16xf32>,
      }
      %scan3A_237 = arith.constant 16 : i32
    }
    %scan3A_131 = arith.constant 8 : i32
    %dma_wait3A_132 = arith.constant 0 : i32
    %dma_wait3A_133 = arith.constant 0 : i32
    %dma_wait3A_134 = tpu.memref_slice %arg15[%dma_wait3A_132, %dma_wait3A_133] : memref<128x256xf32, #tpu.memory_space<vmem>> -> memref<128x128xf32, #tpu.memory_space<vmem>>
    %dma_wait3A_135 = arith.constant 0 : i32
    %dma_wait3A_136 = tpu.memref_slice %arg8[%dma_wait3A_135] : memref<10000xi32, #tpu.memory_space<vmem>> -> memref<128xi32, #tpu.memory_space<vmem>>
    %dma_wait3A_137 = arith.constant 0 : i32
    %dma_wait3A_138 = arith.constant 0 : i32
    %dma_wait3A_139 = tpu.memref_slice %arg2[%dma_wait3A_137, %dma_wait3A_138] : memref<10000x128xf32, #tpu.memory_space<hbm>> -> memref<10000x128xf32, #tpu.memory_space<hbm>>
    tpu.wait_indirect_dma semaphore(%arg17 : memref<!tpu.dma_semaphore, #tpu.memory_space<semaphore_mem>>) src(%dma_wait3A_139 : memref<10000x128xf32, #tpu.memory_space<hbm>>) dst(%dma_wait3A_134 : memref<128x128xf32, #tpu.memory_space<vmem>>)
    %dma_wait3A_140 = arith.constant 0 : i32
    %dma_wait3A_141 = arith.constant 128 : i32
    %dma_wait3A_142 = tpu.memref_slice %arg15[%dma_wait3A_140, %dma_wait3A_141] : memref<128x256xf32, #tpu.memory_space<vmem>> -> memref<128x128xf32, #tpu.memory_space<vmem>>
    %dma_wait3A_143 = arith.constant 0 : i32
    %dma_wait3A_144 = tpu.memref_slice %arg9[%dma_wait3A_143] : memref<10000xi32, #tpu.memory_space<vmem>> -> memref<128xi32, #tpu.memory_space<vmem>>
    %dma_wait3A_145 = arith.constant 0 : i32
    %dma_wait3A_146 = arith.constant 0 : i32
    %dma_wait3A_147 = tpu.memref_slice %arg2[%dma_wait3A_145, %dma_wait3A_146] : memref<10000x128xf32, #tpu.memory_space<hbm>> -> memref<10000x128xf32, #tpu.memory_space<hbm>>
    tpu.wait_indirect_dma semaphore(%arg17 : memref<!tpu.dma_semaphore, #tpu.memory_space<semaphore_mem>>) src(%dma_wait3A_147 : memref<10000x128xf32, #tpu.memory_space<hbm>>) dst(%dma_wait3A_142 : memref<128x128xf32, #tpu.memory_space<vmem>>)
    %add3A_148 = arith.constant 9856 : i32
    %add3A_149 = arith.addi %mul3A_2, %add3A_148 : i32
    %mul3A_150 = arith.constant 128 : i32
    %mul3A_151 = arith.muli %add3A_149, %mul3A_150 : i32
    %dma_start3A_152 = tpu.memref_slice %arg6[%mul3A_151] : memref<40960000xf32, #tpu.memory_space<hbm>> -> memref<16384xf32, #tpu.memory_space<hbm>>
    %dma_start3A_153 = tpu.memref_slice %arg6[%mul3A_151] : memref<40960000xf32, #tpu.memory_space<hbm>> -> memref<16384xf32, #tpu.memory_space<hbm>>
    tpu.enqueue_dma source(%arg14 : memref<16384xf32, #tpu.memory_space<vmem>>) target(%dma_start3A_153 : memref<16384xf32, #tpu.memory_space<hbm>>) target_semaphore(%arg19 : memref<!tpu.dma_semaphore, #tpu.memory_space<semaphore_mem>>)
    %dma_start3A_154 = arith.constant 0 : i32
    %dma_start3A_155 = tpu.memref_slice %arg7[%add3A_149, %dma_start3A_154] : memref<320000x256xf32, #tpu.memory_space<hbm>> -> memref<128x256xf32, #tpu.memory_space<hbm>>
    %dma_start3A_156 = arith.constant 0 : i32
    %dma_start3A_157 = tpu.memref_slice %arg7[%add3A_149, %dma_start3A_156] : memref<320000x256xf32, #tpu.memory_space<hbm>> -> memref<128x256xf32, #tpu.memory_space<hbm>>
    tpu.enqueue_dma source(%arg15 : memref<128x256xf32, #tpu.memory_space<vmem>>) target(%dma_start3A_157 : memref<128x256xf32, #tpu.memory_space<hbm>>) target_semaphore(%arg19 : memref<!tpu.dma_semaphore, #tpu.memory_space<semaphore_mem>>)
    %dma_wait3A_158 = arith.constant 0 : i32
    %dma_wait3A_159 = tpu.memref_slice %arg6[%dma_wait3A_158] : memref<40960000xf32, #tpu.memory_space<hbm>> -> memref<16384xf32, #tpu.memory_space<hbm>>
    %dma_wait3A_160 = arith.constant 0 : i32
    %dma_wait3A_161 = tpu.memref_slice %arg6[%dma_wait3A_160] : memref<40960000xf32, #tpu.memory_space<hbm>> -> memref<16384xf32, #tpu.memory_space<hbm>>
    tpu.wait_dma2 semaphore(%arg18 : memref<!tpu.dma_semaphore, #tpu.memory_space<semaphore_mem>>) src(%arg12 : memref<16384xf32, #tpu.memory_space<vmem>>) dst(%dma_wait3A_161 : memref<16384xf32, #tpu.memory_space<hbm>>)
    %dma_wait3A_162 = arith.constant 0 : i32
    %dma_wait3A_163 = tpu.memref_slice %arg7[%mul3A_2, %dma_wait3A_162] : memref<320000x256xf32, #tpu.memory_space<hbm>> -> memref<128x256xf32, #tpu.memory_space<hbm>>
    %dma_wait3A_164 = arith.constant 0 : i32
    %dma_wait3A_165 = tpu.memref_slice %arg7[%mul3A_2, %dma_wait3A_164] : memref<320000x256xf32, #tpu.memory_space<hbm>> -> memref<128x256xf32, #tpu.memory_space<hbm>>
    tpu.wait_dma2 semaphore(%arg18 : memref<!tpu.dma_semaphore, #tpu.memory_space<semaphore_mem>>) src(%arg13 : memref<128x256xf32, #tpu.memory_space<vmem>>) dst(%dma_wait3A_165 : memref<128x256xf32, #tpu.memory_space<hbm>>)
    %dma_wait3A_166 = arith.constant 0 : i32
    %dma_wait3A_167 = tpu.memref_slice %arg6[%dma_wait3A_166] : memref<40960000xf32, #tpu.memory_space<hbm>> -> memref<16384xf32, #tpu.memory_space<hbm>>
    %dma_wait3A_168 = arith.constant 0 : i32
    %dma_wait3A_169 = tpu.memref_slice %arg6[%dma_wait3A_168] : memref<40960000xf32, #tpu.memory_space<hbm>> -> memref<16384xf32, #tpu.memory_space<hbm>>
    tpu.wait_dma2 semaphore(%arg19 : memref<!tpu.dma_semaphore, #tpu.memory_space<semaphore_mem>>) src(%arg14 : memref<16384xf32, #tpu.memory_space<vmem>>) dst(%dma_wait3A_169 : memref<16384xf32, #tpu.memory_space<hbm>>)
    %dma_wait3A_170 = arith.constant 0 : i32
    %dma_wait3A_171 = tpu.memref_slice %arg7[%mul3A_2, %dma_wait3A_170] : memref<320000x256xf32, #tpu.memory_space<hbm>> -> memref<128x256xf32, #tpu.memory_space<hbm>>
    %dma_wait3A_172 = arith.constant 0 : i32
    %dma_wait3A_173 = tpu.memref_slice %arg7[%mul3A_2, %dma_wait3A_172] : memref<320000x256xf32, #tpu.memory_space<hbm>> -> memref<128x256xf32, #tpu.memory_space<hbm>>
    tpu.wait_dma2 semaphore(%arg19 : memref<!tpu.dma_semaphore, #tpu.memory_space<semaphore_mem>>) src(%arg15 : memref<128x256xf32, #tpu.memory_space<vmem>>) dst(%dma_wait3A_173 : memref<128x256xf32, #tpu.memory_space<hbm>>)
    %add3A_174 = arith.constant 9984 : i32
    %add3A_175 = arith.addi %mul3A_2, %add3A_174 : i32
    %dma_start3A_176 = arith.constant 0 : i32
    %dma_start3A_177 = arith.constant 0 : i32
    %dma_start3A_178 = tpu.memref_slice %arg13[%dma_start3A_176, %dma_start3A_177] : memref<128x256xf32, #tpu.memory_space<vmem>> -> memref<16x128xf32, #tpu.memory_space<vmem>>
    %dma_start3A_179 = arith.constant 9984 : i32
    %dma_start3A_180 = tpu.memref_slice %arg8[%dma_start3A_179] : memref<10000xi32, #tpu.memory_space<vmem>> -> memref<16xi32, #tpu.memory_space<vmem>>
    %dma_start3A_181 = arith.constant 0 : i32
    %dma_start3A_182 = arith.constant 0 : i32
    %dma_start3A_183 = tpu.memref_slice %arg2[%dma_start3A_181, %dma_start3A_182] : memref<10000x128xf32, #tpu.memory_space<hbm>> -> memref<10000x128xf32, #tpu.memory_space<hbm>>
    tpu.enqueue_indirect_dma source(%dma_start3A_183 : memref<10000x128xf32, #tpu.memory_space<hbm>>) target(%dma_start3A_178 : memref<16x128xf32, #tpu.memory_space<vmem>>) offsets(%dma_start3A_180 : memref<16xi32, #tpu.memory_space<vmem>>) semaphore(%arg16 : memref<!tpu.dma_semaphore, #tpu.memory_space<semaphore_mem>>)
    %dma_start3A_184 = arith.constant 0 : i32
    %dma_start3A_185 = arith.constant 128 : i32
    %dma_start3A_186 = tpu.memref_slice %arg13[%dma_start3A_184, %dma_start3A_185] : memref<128x256xf32, #tpu.memory_space<vmem>> -> memref<16x128xf32, #tpu.memory_space<vmem>>
    %dma_start3A_187 = arith.constant 9984 : i32
    %dma_start3A_188 = tpu.memref_slice %arg9[%dma_start3A_187] : memref<10000xi32, #tpu.memory_space<vmem>> -> memref<16xi32, #tpu.memory_space<vmem>>
    %dma_start3A_189 = arith.constant 0 : i32
    %dma_start3A_190 = arith.constant 0 : i32
    %dma_start3A_191 = tpu.memref_slice %arg2[%dma_start3A_189, %dma_start3A_190] : memref<10000x128xf32, #tpu.memory_space<hbm>> -> memref<10000x128xf32, #tpu.memory_space<hbm>>
    tpu.enqueue_indirect_dma source(%dma_start3A_191 : memref<10000x128xf32, #tpu.memory_space<hbm>>) target(%dma_start3A_186 : memref<16x128xf32, #tpu.memory_space<vmem>>) offsets(%dma_start3A_188 : memref<16xi32, #tpu.memory_space<vmem>>) semaphore(%arg16 : memref<!tpu.dma_semaphore, #tpu.memory_space<semaphore_mem>>)
    %scan3A_192 = arith.constant 0 : i32
    %scan3A_193 = arith.constant 0 : i32
    %mul3A_194 = arith.constant 16 : i32
    %mul3A_195 = arith.muli %scan3A_193, %mul3A_194 : i32
    %add3A_196 = arith.constant 9984 : i32
    %add3A_197 = arith.addi %add3A_196, %mul3A_195 : i32
    %get3A_198 = arith.index_cast %add3A_197 : i32 to index
    %get3A_199 = tpu.vector_load %arg10[%get3A_198] {strides = array<i32>} : memref<10000xi32, #tpu.memory_space<vmem>>, vector<16xi32>,
    %get3A_200 = vector.shape_cast %get3A_199 : vector<16xi32> to vector<16xi32>
    %scan3A_201 = arith.constant 0 : i32
    %scan3A_202 = arith.constant 16 : i32
    %scan3A_203 = arith.addi %scan3A_201, %scan3A_202 : i32
    %scan3A_204 = arith.constant 1 : i32
    scf.for %scan3A_225 = %scan3A_201 to %scan3A_203 step %scan3A_204  : i32 {
      %broadcast_in_dim3A = vector.broadcast %scan3A_225 : i32 to vector<16x1xi32>
      %gather3A = vector.shape_cast %broadcast_in_dim3A : vector<16x1xi32> to vector<16xi32>
      %gather3A_226 = tpu.dynamic_gather %get3A_200[%gather3A] in [0] : vector<16xi32>, vector<16xi32> -> vector<16xi32>
      %convert_element_type3A = arith.sitofp %gather3A_226 : vector<16xi32> to vector<16xf32>
      %mul3A_227 = arith.constant 16 : i32
      %mul3A_228 = arith.muli %scan3A_193, %mul3A_227 : i32
      %add3A_229 = arith.addi %mul3A_228, %scan3A_225 : i32
      %mul3A_230 = arith.constant 128 : i32
      %mul3A_231 = arith.muli %add3A_229, %mul3A_230 : i32
      %mul3A_232 = arith.mulf %convert_element_type3A, %sub3A : vector<16xf32>
      %add3A_233 = arith.addf %get3A_6, %mul3A_232 : vector<16xf32>
      %add3A_234 = arith.constant 0 : i32
      %add3A_235 = arith.addi %mul3A_231, %add3A_234 : i32
      %swap3A = arith.index_cast %add3A_235 : i32 to index
      %swap3A_236 = tpu.vector_load %arg12[%swap3A] {strides = array<i32>} : memref<16384xf32, #tpu.memory_space<vmem>>, vector<16xf32>,
      %swap3A_237 = vector.shape_cast %swap3A_236 : vector<16xf32> to vector<16xf32>
      %swap3A_238 = vector.shape_cast %add3A_233 : vector<16xf32> to vector<16xf32>
      tpu.vector_store %arg12[%swap3A], %swap3A_238 {strides = array<i32>} : memref<16384xf32, #tpu.memory_space<vmem>>, vector<16xf32>,
      %mul3A_239 = arith.mulf %convert_element_type3A, %sub3A_34 : vector<16xf32>
      %add3A_240 = arith.addf %get3A_9, %mul3A_239 : vector<16xf32>
      %add3A_241 = arith.constant 16 : i32
      %add3A_242 = arith.addi %mul3A_231, %add3A_241 : i32
      %swap3A_243 = arith.index_cast %add3A_242 : i32 to index
      %swap3A_244 = tpu.vector_load %arg12[%swap3A_243] {strides = array<i32>} : memref<16384xf32, #tpu.memory_space<vmem>>, vector<16xf32>,
      %swap3A_245 = vector.shape_cast %swap3A_244 : vector<16xf32> to vector<16xf32>
      %swap3A_246 = vector.shape_cast %add3A_240 : vector<16xf32> to vector<16xf32>
      tpu.vector_store %arg12[%swap3A_243], %swap3A_246 {strides = array<i32>} : memref<16384xf32, #tpu.memory_space<vmem>>, vector<16xf32>,
      %mul3A_247 = arith.mulf %convert_element_type3A, %sub3A_38 : vector<16xf32>
      %add3A_248 = arith.addf %get3A_12, %mul3A_247 : vector<16xf32>
      %add3A_249 = arith.constant 32 : i32
      %add3A_250 = arith.addi %mul3A_231, %add3A_249 : i32
      %swap3A_251 = arith.index_cast %add3A_250 : i32 to index
      %swap3A_252 = tpu.vector_load %arg12[%swap3A_251] {strides = array<i32>} : memref<16384xf32, #tpu.memory_space<vmem>>, vector<16xf32>,
      %swap3A_253 = vector.shape_cast %swap3A_252 : vector<16xf32> to vector<16xf32>
      %swap3A_254 = vector.shape_cast %add3A_248 : vector<16xf32> to vector<16xf32>
      tpu.vector_store %arg12[%swap3A_251], %swap3A_254 {strides = array<i32>} : memref<16384xf32, #tpu.memory_space<vmem>>, vector<16xf32>,
      %mul3A_255 = arith.mulf %convert_element_type3A, %sub3A_42 : vector<16xf32>
      %add3A_256 = arith.addf %get3A_15, %mul3A_255 : vector<16xf32>
      %add3A_257 = arith.constant 48 : i32
      %add3A_258 = arith.addi %mul3A_231, %add3A_257 : i32
      %swap3A_259 = arith.index_cast %add3A_258 : i32 to index
      %swap3A_260 = tpu.vector_load %arg12[%swap3A_259] {strides = array<i32>} : memref<16384xf32, #tpu.memory_space<vmem>>, vector<16xf32>,
      %swap3A_261 = vector.shape_cast %swap3A_260 : vector<16xf32> to vector<16xf32>
      %swap3A_262 = vector.shape_cast %add3A_256 : vector<16xf32> to vector<16xf32>
      tpu.vector_store %arg12[%swap3A_259], %swap3A_262 {strides = array<i32>} : memref<16384xf32, #tpu.memory_space<vmem>>, vector<16xf32>,
      %mul3A_263 = arith.mulf %convert_element_type3A, %sub3A_46 : vector<16xf32>
      %add3A_264 = arith.addf %get3A_18, %mul3A_263 : vector<16xf32>
      %add3A_265 = arith.constant 64 : i32
      %add3A_266 = arith.addi %mul3A_231, %add3A_265 : i32
      %swap3A_267 = arith.index_cast %add3A_266 : i32 to index
      %swap3A_268 = tpu.vector_load %arg12[%swap3A_267] {strides = array<i32>} : memref<16384xf32, #tpu.memory_space<vmem>>, vector<16xf32>,
      %swap3A_269 = vector.shape_cast %swap3A_268 : vector<16xf32> to vector<16xf32>
      %swap3A_270 = vector.shape_cast %add3A_264 : vector<16xf32> to vector<16xf32>
      tpu.vector_store %arg12[%swap3A_267], %swap3A_270 {strides = array<i32>} : memref<16384xf32, #tpu.memory_space<vmem>>, vector<16xf32>,
      %mul3A_271 = arith.mulf %convert_element_type3A, %sub3A_50 : vector<16xf32>
      %add3A_272 = arith.addf %get3A_21, %mul3A_271 : vector<16xf32>
      %add3A_273 = arith.constant 80 : i32
      %add3A_274 = arith.addi %mul3A_231, %add3A_273 : i32
      %swap3A_275 = arith.index_cast %add3A_274 : i32 to index
      %swap3A_276 = tpu.vector_load %arg12[%swap3A_275] {strides = array<i32>} : memref<16384xf32, #tpu.memory_space<vmem>>, vector<16xf32>,
      %swap3A_277 = vector.shape_cast %swap3A_276 : vector<16xf32> to vector<16xf32>
      %swap3A_278 = vector.shape_cast %add3A_272 : vector<16xf32> to vector<16xf32>
      tpu.vector_store %arg12[%swap3A_275], %swap3A_278 {strides = array<i32>} : memref<16384xf32, #tpu.memory_space<vmem>>, vector<16xf32>,
      %mul3A_279 = arith.mulf %convert_element_type3A, %sub3A_54 : vector<16xf32>
      %add3A_280 = arith.addf %get3A_24, %mul3A_279 : vector<16xf32>
      %add3A_281 = arith.constant 96 : i32
      %add3A_282 = arith.addi %mul3A_231, %add3A_281 : i32
      %swap3A_283 = arith.index_cast %add3A_282 : i32 to index
      %swap3A_284 = tpu.vector_load %arg12[%swap3A_283] {strides = array<i32>} : memref<16384xf32, #tpu.memory_space<vmem>>, vector<16xf32>,
      %swap3A_285 = vector.shape_cast %swap3A_284 : vector<16xf32> to vector<16xf32>
      %swap3A_286 = vector.shape_cast %add3A_280 : vector<16xf32> to vector<16xf32>
      tpu.vector_store %arg12[%swap3A_283], %swap3A_286 {strides = array<i32>} : memref<16384xf32, #tpu.memory_space<vmem>>, vector<16xf32>,
      %mul3A_287 = arith.mulf %convert_element_type3A, %sub3A_58 : vector<16xf32>
      %add3A_288 = arith.addf %get3A_27, %mul3A_287 : vector<16xf32>
      %add3A_289 = arith.constant 112 : i32
      %add3A_290 = arith.addi %mul3A_231, %add3A_289 : i32
      %swap3A_291 = arith.index_cast %add3A_290 : i32 to index
      %swap3A_292 = tpu.vector_load %arg12[%swap3A_291] {strides = array<i32>} : memref<16384xf32, #tpu.memory_space<vmem>>, vector<16xf32>,
      %swap3A_293 = vector.shape_cast %swap3A_292 : vector<16xf32> to vector<16xf32>
      %swap3A_294 = vector.shape_cast %add3A_288 : vector<16xf32> to vector<16xf32>
      tpu.vector_store %arg12[%swap3A_291], %swap3A_294 {strides = array<i32>} : memref<16384xf32, #tpu.memory_space<vmem>>, vector<16xf32>,
    }
    %scan3A_205 = arith.constant 16 : i32
    %scan3A_206 = arith.constant 1 : i32
    %dma_wait3A_207 = arith.constant 0 : i32
    %dma_wait3A_208 = arith.constant 0 : i32
    %dma_wait3A_209 = tpu.memref_slice %arg13[%dma_wait3A_207, %dma_wait3A_208] : memref<128x256xf32, #tpu.memory_space<vmem>> -> memref<16x128xf32, #tpu.memory_space<vmem>>
    %dma_wait3A_210 = arith.constant 9984 : i32
    %dma_wait3A_211 = tpu.memref_slice %arg8[%dma_wait3A_210] : memref<10000xi32, #tpu.memory_space<vmem>> -> memref<16xi32, #tpu.memory_space<vmem>>
    %dma_wait3A_212 = arith.constant 0 : i32
    %dma_wait3A_213 = arith.constant 0 : i32
    %dma_wait3A_214 = tpu.memref_slice %arg2[%dma_wait3A_212, %dma_wait3A_213] : memref<10000x128xf32, #tpu.memory_space<hbm>> -> memref<10000x128xf32, #tpu.memory_space<hbm>>
    tpu.wait_indirect_dma semaphore(%arg16 : memref<!tpu.dma_semaphore, #tpu.memory_space<semaphore_mem>>) src(%dma_wait3A_214 : memref<10000x128xf32, #tpu.memory_space<hbm>>) dst(%dma_wait3A_209 : memref<16x128xf32, #tpu.memory_space<vmem>>)
    %dma_wait3A_215 = arith.constant 0 : i32
    %dma_wait3A_216 = arith.constant 128 : i32
    %dma_wait3A_217 = tpu.memref_slice %arg13[%dma_wait3A_215, %dma_wait3A_216] : memref<128x256xf32, #tpu.memory_space<vmem>> -> memref<16x128xf32, #tpu.memory_space<vmem>>
    %dma_wait3A_218 = arith.constant 9984 : i32
    %dma_wait3A_219 = tpu.memref_slice %arg9[%dma_wait3A_218] : memref<10000xi32, #tpu.memory_space<vmem>> -> memref<16xi32, #tpu.memory_space<vmem>>
    %dma_wait3A_220 = arith.constant 0 : i32
    %dma_wait3A_221 = arith.constant 0 : i32
    %dma_wait3A_222 = tpu.memref_slice %arg2[%dma_wait3A_220, %dma_wait3A_221] : memref<10000x128xf32, #tpu.memory_space<hbm>> -> memref<10000x128xf32, #tpu.memory_space<hbm>>
    tpu.wait_indirect_dma semaphore(%arg16 : memref<!tpu.dma_semaphore, #tpu.memory_space<semaphore_mem>>) src(%dma_wait3A_222 : memref<10000x128xf32, #tpu.memory_space<hbm>>) dst(%dma_wait3A_217 : memref<16x128xf32, #tpu.memory_space<vmem>>)
    %mul3A_223 = arith.constant 128 : i32
    %mul3A_224 = arith.muli %add3A_175, %mul3A_223 : i32
    "tpu.region"() ({
      %run_scoped3A = tpu.sem_alloc : memref<!tpu.dma_semaphore, #tpu.memory_space<semaphore_mem>>
      %dma_start3A_225 = arith.constant 0 : i32
      %dma_start3A_226 = tpu.memref_slice %arg12[%dma_start3A_225] : memref<16384xf32, #tpu.memory_space<vmem>> -> memref<2048xf32, #tpu.memory_space<vmem>>
      %dma_start3A_227 = tpu.memref_slice %arg6[%mul3A_224] : memref<40960000xf32, #tpu.memory_space<hbm>> -> memref<2048xf32, #tpu.memory_space<hbm>>
      %dma_start3A_228 = tpu.memref_slice %arg6[%mul3A_224] : memref<40960000xf32, #tpu.memory_space<hbm>> -> memref<2048xf32, #tpu.memory_space<hbm>>
      %dma_start3A_229 = arith.constant 0 : i32
      %dma_start3A_230 = tpu.memref_slice %arg12[%dma_start3A_229] : memref<16384xf32, #tpu.memory_space<vmem>> -> memref<2048xf32, #tpu.memory_space<vmem>>
      tpu.enqueue_dma source(%dma_start3A_230 : memref<2048xf32, #tpu.memory_space<vmem>>) target(%dma_start3A_228 : memref<2048xf32, #tpu.memory_space<hbm>>) target_semaphore(%run_scoped3A : memref<!tpu.dma_semaphore, #tpu.memory_space<semaphore_mem>>)
      %dma_wait3A_231 = arith.constant 0 : i32
      %dma_wait3A_232 = tpu.memref_slice %arg12[%dma_wait3A_231] : memref<16384xf32, #tpu.memory_space<vmem>> -> memref<2048xf32, #tpu.memory_space<vmem>>
      %dma_wait3A_233 = tpu.memref_slice %arg6[%mul3A_224] : memref<40960000xf32, #tpu.memory_space<hbm>> -> memref<2048xf32, #tpu.memory_space<hbm>>
      %dma_wait3A_234 = tpu.memref_slice %arg6[%mul3A_224] : memref<40960000xf32, #tpu.memory_space<hbm>> -> memref<2048xf32, #tpu.memory_space<hbm>>
      %dma_wait3A_235 = arith.constant 0 : i32
      %dma_wait3A_236 = tpu.memref_slice %arg12[%dma_wait3A_235] : memref<16384xf32, #tpu.memory_space<vmem>> -> memref<2048xf32, #tpu.memory_space<vmem>>
      tpu.wait_dma2 semaphore(%run_scoped3A : memref<!tpu.dma_semaphore, #tpu.memory_space<semaphore_mem>>) src(%dma_wait3A_236 : memref<2048xf32, #tpu.memory_space<vmem>>) dst(%dma_wait3A_234 : memref<2048xf32, #tpu.memory_space<hbm>>)
      tpu.yield
    }) : () -> ()
    "tpu.region"() ({
      %run_scoped3A = tpu.sem_alloc : memref<!tpu.dma_semaphore, #tpu.memory_space<semaphore_mem>>
      %dma_start3A_225 = arith.constant 0 : i32
      %dma_start3A_226 = arith.constant 0 : i32
      %dma_start3A_227 = tpu.memref_slice %arg13[%dma_start3A_225, %dma_start3A_226] : memref<128x256xf32, #tpu.memory_space<vmem>> -> memref<16x256xf32, #tpu.memory_space<vmem>>
      %dma_start3A_228 = arith.constant 0 : i32
      %dma_start3A_229 = tpu.memref_slice %arg7[%add3A_175, %dma_start3A_228] : memref<320000x256xf32, #tpu.memory_space<hbm>> -> memref<16x256xf32, #tpu.memory_space<hbm>>
      %dma_start3A_230 = arith.constant 0 : i32
      %dma_start3A_231 = tpu.memref_slice %arg7[%add3A_175, %dma_start3A_230] : memref<320000x256xf32, #tpu.memory_space<hbm>> -> memref<16x256xf32, #tpu.memory_space<hbm>>
      %dma_start3A_232 = arith.constant 0 : i32
      %dma_start3A_233 = arith.constant 0 : i32
      %dma_start3A_234 = tpu.memref_slice %arg13[%dma_start3A_232, %dma_start3A_233] : memref<128x256xf32, #tpu.memory_space<vmem>> -> memref<16x256xf32, #tpu.memory_space<vmem>>
      tpu.enqueue_dma source(%dma_start3A_234 : memref<16x256xf32, #tpu.memory_space<vmem>>) target(%dma_start3A_231 : memref<16x256xf32, #tpu.memory_space<hbm>>) target_semaphore(%run_scoped3A : memref<!tpu.dma_semaphore, #tpu.memory_space<semaphore_mem>>)
      %dma_wait3A_235 = arith.constant 0 : i32
      %dma_wait3A_236 = arith.constant 0 : i32
      %dma_wait3A_237 = tpu.memref_slice %arg13[%dma_wait3A_235, %dma_wait3A_236] : memref<128x256xf32, #tpu.memory_space<vmem>> -> memref<16x256xf32, #tpu.memory_space<vmem>>
      %dma_wait3A_238 = arith.constant 0 : i32
      %dma_wait3A_239 = tpu.memref_slice %arg7[%add3A_175, %dma_wait3A_238] : memref<320000x256xf32, #tpu.memory_space<hbm>> -> memref<16x256xf32, #tpu.memory_space<hbm>>
      %dma_wait3A_240 = arith.constant 0 : i32
      %dma_wait3A_241 = tpu.memref_slice %arg7[%add3A_175, %dma_wait3A_240] : memref<320000x256xf32, #tpu.memory_space<hbm>> -> memref<16x256xf32, #tpu.memory_space<hbm>>
      %dma_wait3A_242 = arith.constant 0 : i32
      %dma_wait3A_243 = arith.constant 0 : i32
      %dma_wait3A_244 = tpu.memref_slice %arg13[%dma_wait3A_242, %dma_wait3A_243] : memref<128x256xf32, #tpu.memory_space<vmem>> -> memref<16x256xf32, #tpu.memory_space<vmem>>
      tpu.wait_dma2 semaphore(%run_scoped3A : memref<!tpu.dma_semaphore, #tpu.memory_space<semaphore_mem>>) src(%dma_wait3A_244 : memref<16x256xf32, #tpu.memory_space<vmem>>) dst(%dma_wait3A_241 : memref<16x256xf32, #tpu.memory_space<hbm>>)
      tpu.yield
    }) : () -> ()
    return
  }
}

</mosaic_0001>

<sc_bundles>
// kernel: _run.3.cloned.1.call-start
scs
__scs_entry_jumppad:
0x0: {  	(pc) =	sbr.rel $0x88, $3  }
0x1: {  	(tag) =	ssettag $0x0;
	lr =	simm.s32 $0x1  }
0x2: {  	[smem:$0x3F9D] =	sst lr;
	_ =	strace $0xD0000000  }
0x3: {  	_ = 	snop  }
0x4: {  	_ = 	snop  }
0x5: {  	_ = 	snop  }
0x6: {  	_ = 	snop  }
0x7: {  	_ = 	snop  }
__scs_overlays_trampoline_lowered:
0x8: {  	[smem:$0x3FAC] =	sst s0  }
0x9: {  	[smem:$0x3FAD] =	sst s1  }
0xa: {  	[smem:$0x3FAE] =	sst s2  }
0xb: {  	[smem:$0x3FAF] =	sst s3  }
0xc: {  	[smem:$0x3FB0] =	sst s4  }
0xd: {  	[smem:$0x3FB1] =	sst s5  }
0xe: {  	[smem:$0x3FB2] =	sst s6  }
0xf: {  	[smem:$0x3FB3] =	sst s7  }
0x10: {  	[smem:$0x3FB4] =	sst s8  }
0x11: {  	[smem:$0x3FB5] =	sst s9;
	s0 =	simm.s32 @!p0 $0x0  }
0x12: {  	s1 =	sld [smem:$0x3F9B];
	s0 =	simm.s32 @p0 $0x1  }
0x13: {  	[smem:$0x3FB6] =	sst s0;
	s0 =	simm.s32 @!p1 $0x0  }
0x14: {  	s2 =	sld [smem:$0x3F9A];
	s0 =	simm.s32 @p1 $0x1  }
0x15: {  	[smem:$0x3FB7] =	sst s0;
	s0 =	simm.s32 @!p2 $0x0  }
0x16: {  	s3 =	sld [smem:$0x3FDB];
	s0 =	simm.s32 @p2 $0x1  }
0x17: {  	s4 =	simm.s32 $0x1BF5;
	[smem:$0x3FB9] =	sst s0  }
0x18: {  	s0 =	sld [smem:$0x3F9C];
	_ =	swait.ge [sflag:s4], $0x0  }
0x19: {  	s7 =	sld [smem:$0x3F9D]  }
0x1a: {  	s8 =	sadd.s32 $0xFFFFE003, lr  }
0x1b: {  	s9 =	sadd.s32 $0xFFFFFEF7, lr;
	s5 =	simm.s32 $0xFFFFFFFF;
	p2 =	slt.u32 s8, $0xFFFFF086  }
0x1c: {  	p1 =	slt.u32 s9, $0xF7A;
	s5 =	simm.s32 @!p2 $0x0  }
0x1d: {  	s5 =	simm.s32 @p1 $0x1;
	p0 =	seq.s32 s7, s2  }
0x1e: {  	s7 =	smul.u32 @!p0 $0xF7A, s2;
	p2 =	seq.s32 @!p0 s5, $0x0  }
0x1f: {  	s9 =	smul.u32 $0xF7A, s1;
	s8 =	simm.s32 @!p0 $0x1BF5;
	p2 =	por !p2, p0  }
0x20: {  	[sflag:s8] =	ssyncset.s32 @!p0 $0xFFFFF086;
	s6 =	sadd.s32 @!p0 s3, s7;
	s7 =	simm.s32 @!p0 $0x108  }
0x21: {  	s3 =	sadd.s32 s3, s9;
	s6 =	sadd.s32 @!p0 $0x88, s6;
	s7 =	simm.s32 @p2 $0x1082  }
0x22: {  	[simem:s7], [sflag:s8] =	dma.local @!p0 [hbm:s6], $0xF7A  }
0x23: {  	s9 =	sor.u32 $0xD0000000, s2;
	s6 =	simm.s32 $0x108;
	_ =	swait.ge @!p0 [sflag:s8], $0x0  }
0x24: {  	s3 =	sadd.s32 $0x88, s3;
	s6 =	simm.s32 @!p1 $0x1082;
	[sflag:s4] =	ssyncset.s32 $0xFFFFF086  }
0x25: {  	[simem:s6], [sflag:s4] =	dma.local [hbm:s3], $0xF7A  }
0x26: {  	[smem:$0x3F9D] =	sst s1;
	(tag) =	ssettag s2;
	_ =	strace s9  }
0x27: {  	s1 =	sld [smem:$0x3FAD]  }
0x28: {  	s2 =	sld [smem:$0x3FAE]  }
0x29: {  	s4 =	sld [smem:$0x3FB0]  }
0x2a: {  	p0 =	seq.s32 s5, $0x0;
	s5 =	sld [smem:$0x3FB1]  }
0x2b: {  	s6 =	sld [smem:$0x3FB2]  }
0x2c: {  	s7 =	sld [smem:$0x3FB3]  }
0x2d: {  	s3 =	simm.s32 $0x108;
	s8 =	sld [smem:$0x3FB4]  }
0x2e: {  	s3 =	simm.s32 @!p0 $0x1082;
	s9 =	sld [smem:$0x3FB5]  }
0x2f: {  	lr =	sadd.s32 s0, s3;
	s0 =	sld [smem:$0x3FAC]  }
0x30: {  	s3 =	sld [smem:$0x3FAF]  }
0x31: {  	[smem:$0x3FB8] =	sst s10  }
0x32: {  	s10 =	sld [smem:$0x3FB6];
	_ =	sdelay $0x3  }
0x33: {  	p0 =	seq.s32 s10, $0x1;
	s10 =	sld [smem:$0x3FB8];
	_ =	sdelay $0x3  }
0x34: {  	[smem:$0x3FB8] =	sst s10  }
0x35: {  	s10 =	sld [smem:$0x3FB7];
	_ =	sdelay $0x3  }
0x36: {  	p1 =	seq.s32 s10, $0x1;
	s10 =	sld [smem:$0x3FB8];
	_ =	sdelay $0x3  }
0x37: {  	[smem:$0x3FB8] =	sst s10  }
0x38: {  	s10 =	sld [smem:$0x3FB9]  }
0x39: {  	_ = 	snop;
	(pc) =	sbr.ind lr, $3  }
0x3a: {  	_ = 	snop  }
0x3b: {  	_ = 	snop  }
0x3c: {  	p2 =	seq.s32 s10, $0x1;
	s10 =	sld [smem:$0x3FB8]  }
0x3d: {  	_ =	shalt  }
0x3e: {  	_ =	shalt  }
0x3f: {  	_ =	shalt  }
0x40: {  	_ =	shalt  }
0x41: {  	_ =	shalt  }
0x42: {  	_ =	shalt  }
0x43: {  	_ =	shalt  }
0x44: {  	_ =	shalt  }
0x45: {  	_ =	shalt  }
0x46: {  	_ =	shalt  }
0x47: {  	_ =	shalt  }
0x48: {  	_ =	shalt  }
0x49: {  	_ =	shalt  }
0x4a: {  	_ =	shalt  }
0x4b: {  	_ =	shalt  }
0x4c: {  	_ =	shalt  }
0x4d: {  	_ =	shalt  }
0x4e: {  	_ =	shalt  }
0x4f: {  	_ =	shalt  }
0x50: {  	_ =	shalt  }
0x51: {  	_ =	shalt  }
0x52: {  	_ =	shalt  }
0x53: {  	_ =	shalt  }
0x54: {  	_ =	shalt  }
0x55: {  	_ =	shalt  }
0x56: {  	_ =	shalt  }
0x57: {  	_ =	shalt  }
0x58: {  	_ =	shalt  }
0x59: {  	_ =	shalt  }
0x5a: {  	_ =	shalt  }
0x5b: {  	_ =	shalt  }
0x5c: {  	_ =	shalt  }
0x5d: {  	_ =	shalt  }
0x5e: {  	_ =	shalt  }
0x5f: {  	_ =	shalt  }
0x60: {  	_ =	shalt  }
0x61: {  	_ =	shalt  }
0x62: {  	_ =	shalt  }
0x63: {  	_ =	shalt  }
0x64: {  	_ =	shalt  }
0x65: {  	_ =	shalt  }
0x66: {  	_ =	shalt  }
0x67: {  	_ =	shalt  }
0x68: {  	_ =	shalt  }
0x69: {  	_ =	shalt  }
0x6a: {  	_ =	shalt  }
0x6b: {  	_ =	shalt  }
0x6c: {  	_ =	shalt  }
0x6d: {  	_ =	shalt  }
0x6e: {  	_ =	shalt  }
0x6f: {  	_ =	shalt  }
0x70: {  	_ =	shalt  }
0x71: {  	_ =	shalt  }
0x72: {  	_ =	shalt  }
0x73: {  	_ =	shalt  }
0x74: {  	_ =	shalt  }
0x75: {  	_ =	shalt  }
0x76: {  	_ =	shalt  }
0x77: {  	_ =	shalt  }
0x78: {  	_ =	shalt  }
0x79: {  	_ =	shalt  }
0x7a: {  	_ =	shalt  }
0x7b: {  	_ =	shalt  }
0x7c: {  	_ =	shalt  }
0x7d: {  	_ =	shalt  }
0x7e: {  	_ =	shalt  }
0x7f: {  	_ =	shalt  }
0x80: {  	_ =	shalt  }
0x81: {  	_ =	shalt  }
0x82: {  	_ =	shalt  }
0x83: {  	_ =	shalt  }
0x84: {  	_ =	shalt  }
0x85: {  	_ =	shalt  }
0x86: {  	_ =	shalt  }
0x87: {  	_ =	shalt  }
.Lfunc_end0:
.L_simem_size_0:
called_computation_lowered:
.L_overlay_start_0:
0x88: {  	s2 =	sld [smem:$0x3FD9]  }
0x89: {  	s3 =	sld [smem:$0x3FFE];
	_ =	sdelay $0x1  }
0x8a: {  	s1 =	srdreg.scid  }
0x8b: {  	s0 =	sand.u32 $0x1, s1  }
0x8c: {  	s15 =	sshll.u32 s0, $0xA;
	s2 =	sadd.s32 s3, s2  }
0x8d: {  	s2 =	sadd.s32 s2, s15  }
0x8e: {  	[smem:$0x3FC4] =	sst s2  }
0x8f: {  	_ = 	snop  }
0x90: {  	s2 =	sld [smem:$0x3FC9]  }
0x91: {  	s16 =	sld [smem:$0x3FD0]  }
0x92: {  	s4 =	sld [smem:$0x3FC8]  }
0x93: {  	s5 =	sld [smem:$0x3FC7]  }
0x94: {  	s7 =	simm.s32 $0xA;
	s8 =	simm.s32 $0x10;
	s6 =	sld [smem:$0x3FC6]  }
0x95: {  	[smem:s8], [sflag:s7] =	dma.local [hbm:s16], $0x1  }
0x96: {  	_ =	swait.eq [sflag:s7], $0x1  }
0x97: {  	[sflag:s7] =	ssyncset.done $0x0  }
0x98: {  	s17 =	sld [smem:$0x10];
	[sflag:s7] =	ssyncadd.s32 $0xFFFFFFFF  }
0x99: {  	s18 =	sld [smem:$0x11];
	(tm) =	ssettm $0x1  }
0x9a: {  	s19 =	sld [smem:$0x3FFB];
	_ =	sdelay $0x3  }
0x9b: {  	_ =	strace s19  }
0x9c: {  	s8 =	sld [smem:$0x3FFC];
	_ =	sdelay $0x3  }
0x9d: {  	_ =	strace s8  }
0x9e: {  	s8 =	sld [smem:$0x3FFD];
	_ =	sdelay $0x3  }
0x9f: {  	_ =	strace s8  }
0xa0: {  	_ =	strace $0x8FFFFFFF  }
0xa1: {  	s20 =	sld [smem:$0x3FDB];
	_ =	sdelay $0x1  }
0xa2: {  	s9 =	simm.s32 $_scs_section_size  }
0xa3: {  	s10 =	simm.s32 $_size__tile_overlayer_lowered;
	s11 =	simm.s32 $_tile_overlayer_lowered  }
0xa4: {  	s23 =	simm.s32 $0x1BFF;
	s22 =	sshll.u32 s11, $0x1;
	s8 =	sadd.s32 s9, s20  }
0xa5: {  	s12 =	simm.s32 $0x0;
	s21 =	sshll.u32 s10, $0x1;
	s10 =	sadd.s32 s22, s8  }
0xa6: {  	[timem:s12], [sflag:s23] =	dma.local [hbm:s10], s21  }
0xa7: {  	_ =	swait.ge [sflag:s23], s21  }
0xa8: {  	s9 =	ssub.s32 $0x0, s21;
	[sflag:s23] =	ssyncset.done $0x0  }
0xa9: {  	[sflag:s23] =	ssyncadd.s32 s9;
	_ =	sdelay $0x1  }
0xaa: {  	s24 =	simm.s32 $0x1B8B  }
0xab: {  	_ =	swait.ge [sflag:s24], $0x1  }
0xac: {  	[sflag:s24] =	ssyncset.done $0x0  }
0xad: {  	s25 =	simm.s32 $0x1B8E;
	[sflag:s24] =	ssyncadd.s32 $0xFFFFFFFF  }
0xae: {  	s26 =	simm.s32 $execute0_lowered;
	[smem:$0x3FD2] =	sst s25  }
0xaf: {  	s9 =	sshll.u32 s26, $0x1;
	_ =	strace $0x80000046;
	[dreg:$0x1] =	wrdreg $0xFFFFFFFF  }
0xb0: {  	s28 =	simm.s32 $_size_execute0_lowered;
	s8 =	sadd.s32 s8, s9;
	[dreg:$0x0] =	wrdreg $0x0  }
0xb1: {  	s9 =	sshll.u32 s28, $0x1;
	[dreg:$0x2] =	wrdreg s8  }
0xb2: {  	[dreg:$0x3] =	wrdreg s9  }
0xb3: {  	[dreg:$0x4] =	wrdreg $0xC0  }
0xb4: {  	_ =	task [dreg:s12], $0x5FFFF  }
0xb5: {  	[dreg:$0x1] =	wrdreg $0xFFFFFFFF  }
0xb6: {  	[dreg:$0x0] =	wrdreg $0x60  }
0xb7: {  	[dreg:$0x2] =	wrdreg s2  }
0xb8: {  	[dreg:$0x3] =	wrdreg s4  }
0xb9: {  	[dreg:$0x4] =	wrdreg s5  }
0xba: {  	[dreg:$0x5] =	wrdreg s6  }
0xbb: {  	[dreg:$0x6] =	wrdreg s17  }
0xbc: {  	[dreg:$0x7] =	wrdreg s18  }
0xbd: {  	[dreg:$0x8] =	wrdreg $0x9  }
0xbe: {  	_ =	task.clear_ibuf [dreg:s12], $0x9FFFF;
	_ =	strace $0x90000046  }
0xbf: {  	s29 =	simm.s32 $0x9;
	_ =	strace $0x80000048  }
0xc0: {  	_ =	swait.ge [sflag:s29], $0x1  }
0xc1: {  	[sflag:s29] =	ssyncadd.s32 $0xFFFFFFFF  }
0xc2: {  	_ =	strace $0x90000048  }
0xc3: {  	_ =	sfence  }
0xc4: {  	s30 =	sld [smem:$0x0];
	_ =	sdelay $0x2  }
0xc5: {  	s31 =	sshll.u32 s1, $0xD;
	s1 =	sshrl.u32 s1, $0x2  }
0xc6: {  	s3 =	sand.u32 $0x4000, s31;
	s1 =	sadd.s32 s1, s30  }
0xc7: {  	s0 =	sor.u32 s3, s0;
	s1 =	sshll.u32 s1, $0x11  }
0xc8: {  	s0 =	sor.u32 s1, s0  }
0xc9: {  	s0 =	sadd.s32 $0x8F2B, s0  }
0xca: {  	[sflag:s0] =	ssyncadd.remote.s32 $0x1  }
0xcb: {  	_ =	sfence.sel $0xFFFF  }
0xcc: {  	[dreg:$0x0] =	wrdreg $0xFFFFFFFF;
	(pc) =	sbr.abs _section_cstart, $3  }
0xcd: {  	[dreg:$0x1] =	wrdreg $0xFFFFFFFF  }
0xce: {  	_ =	task.clear_ibuf [dreg:s12], $0x2FFFF;
	_ =	strace $0x9FFFFFFF  }
0xcf: {  	(tm) =	ssettm $0x7FFFFFFF  }
tec
execute0_lowered:
.L_overlay_start_1:
0x0: {  	(tag) =	ssettag $0x1  }
0x1: {  	s1 =	rddreg [dreg:$0x0]  }
0x2: {  	s0 =	rddreg [dreg:$0x1]  }
0x3: {  	s2 =	rddreg [dreg:$0x2]  }
0x4: {  	s3 =	srdreg.scid;
	s4 =	stileid.u32;
	s7 =	simm.s32 $0x0  }
0x5: {  	s10 =	simm.s32 $0xBB80;
	s11 =	simm.s32 $0xC380;
	s31 =	simm.s32 $0x17780  }
0x6: {  	s19 =	simm.s32 $0x1C380;
	s20 =	simm.s32 $0x1CB80;
	s12 =	simm.s32 $0x1E380  }
0x7: {  	s13 =	simm.s32 $0x1EB80;
	s14 =	simm.s32 $0x1F380;
	s15 =	simm.s32 $0x7780  }
0x8: {  	s16 =	simm.s32 $0x2;
	s17 =	simm.s32 $0x13780;
	s18 =	simm.s32 $0x4  }
0x9: {  	s3 =	sand.u32 $0x1, s3;
	s5 =	sshll.u32 s4, $0x1;
	s4 =	rddreg [dreg:$0x4]  }
0xa: {  	[smem:$0x7FF] =	sst s7;
	s6 =	sor.u32 s3, s5;
	s3 =	ssub.s32 $0x2, s3  }
0xb: {  	s5 =	rddreg [dreg:$0x5];
	s6 =	smul.u32 $0x2710, s6;
	s8 =	sshrl.u32 s3, $0x1  }
0xc: {  	_ =	strace $0x80000047;
	s3 =	ssub.s32 s3, s8;
	s8 =	simm.s32 $0x3  }
0xd: {  	s9 =	sshrl.u32 s6, $0x3;
	s21 =	sadd.s32 $0x2600, s6;
	s23 =	sadd.s32 $0x2680, s6  }
0xe: {  	s26 =	sadd.s32 $0x2700, s6;
	s30 =	smax.u32 s3, $0x1;
	s3 =	simm.s32 $0x0  }
0xf: {  	s2 =	sadd.s32 s2, s9;
	s0 =	sadd.s32 s0, s9;
	[dreg:$0x10] =	wrdreg s30  }
0x10: {  	s22 =	sshll.u32 s21, $0x4;
	s24 =	sshll.u32 s23, $0x4;
	[dreg:$0x7] =	wrdreg s2  }
0x11: {  	s25 =	sshll.u32 s23, $0x5;
	s2 =	sadd.s32 $0x9C40, s2;
	[dreg:$0x9] =	wrdreg s0  }
0x12: {  	s0 =	sshll.u32 s21, $0x5;
	[dreg:$0x8] =	wrdreg s2;
	s2 =	sadd.s32 s4, s22  }
0x13: {  	s28 =	sshll.u32 s26, $0x4;
	s0 =	sadd.s32 s5, s0;
	[dreg:$0xa] =	wrdreg s2  }
0x14: {  	s9 =	simm.s32 $0x1DB80;
	[dreg:$0xb] =	wrdreg s0;
	s0 =	sadd.s32 s4, s24  }
0x15: {  	s2 =	sshll.u32 s26, $0x5;
	[dreg:$0xc] =	wrdreg s0;
	s0 =	sadd.s32 s5, s25  }
0x16: {  	v2 =	vlaneseq.u32;
	s23 =	simm.s32 $0x1;
	s29 =	sadd.s32 s5, s2;
	[dreg:$0xd] =	wrdreg s0  }
0x17: {  	vm0 =	vmmov $0xff;
	v1 =	vshrl.u32 v2, $0x3;
	s21 =	simm.s32 $0x1D380;
	s0 =	sadd.s32 s4, s28;
	[dreg:$0xf] =	wrdreg s29  }
0x18: {  	v0 =	vand.u32 $0x7, v2;
	v2 =	vor.u32 $0x8, v2;
	v1 =	vmul.u32 $0x8, v1;
	s22 =	simm.s32 $0xB780;
	s2 =	simm.s32 $0x5;
	[dreg:$0xe] =	wrdreg s0  }
.LBB2_1:
0x19: {  	[dreg:$0x11] =	wrdreg s3  }
0x1a: {  	s0 =	rddreg [dreg:$0x8]  }
0x1b: {  	[tilespmem:s7], [sflag:$0x5] =	stream.linear.gather [hbm4b:s0+s7], $0x2710, $0x38;
	[tilespmem:$0x1F780] =	vst v63  }
0x1c: {  	_ =	swait.ge [sflag:s2], $0x2710  }
0x1d: {  	[sflag:s2] =	ssyncset.done $0x0  }
0x1e: {  	s28 =	simm.s32 $0x2780;
	s26 =	rddreg [dreg:$0x7];
	[sflag:s2] =	ssyncadd.s32 $0xFFFFD8F0  }
0x1f: {  	[tilespmem:s28], [sflag:$0x5] =	stream.linear.gather [hbm4b:s26+s7], $0x2710, $0x38;
	[tilespmem:$0x1F780] =	vst v63  }
0x20: {  	_ =	swait.ge [sflag:s2], $0x2710  }
0x21: {  	[sflag:s2] =	ssyncset.done $0x0  }
0x22: {  	s30 =	simm.s32 $0x4F00;
	s29 =	rddreg [dreg:$0x9];
	[sflag:s2] =	ssyncadd.s32 $0xFFFFD8F0  }
0x23: {  	[tilespmem:s30], [sflag:$0x5] =	stream.linear.gather [hbm4b:s29+s7], $0x2710, $0x38;
	[tilespmem:$0x1F780] =	vst v63  }
0x24: {  	_ =	swait.ge [sflag:s2], $0x2710  }
0x25: {  	[sflag:s2] =	ssyncset.done $0x0  }
0x26: {  	[sflag:s2] =	ssyncadd.s32 $0xFFFFD8F0  }
0x27: {  	s24 =	simm.s32 $0x7680;
	s3 =	rddreg [dreg:$0x3]  }
0x28: {  	[tilespmem:s24], [sflag:$0x5] =	stream.linear.gather [hbm4b:s3+s7], $0x100, $0x38;
	[tilespmem:$0x1F780] =	vst v63  }
0x29: {  	_ =	swait.ge [sflag:s2], $0x100  }
0x2a: {  	[sflag:s2] =	ssyncset.done $0x0  }
0x2b: {  	[sflag:s2] =	ssyncadd.s32 $0xFFFFFF00  }
0x2c: {  	v9 =	vld [tilespmem:$0x7680]  }
0x2d: {  	v8 =	vld [tilespmem:$0x7690]  }
0x2e: {  	v7 =	vld [tilespmem:$0x76A0]  }
0x2f: {  	v6 =	vld [tilespmem:$0x76B0]  }
0x30: {  	v15 =	vld [tilespmem:$0x0]  }
0x31: {  	v4 =	vld [tilespmem:$0x76C0]  }
0x32: {  	v5 =	vld [tilespmem:$0x76D0]  }
0x33: {  	v3 =	vld [tilespmem:$0x76E0]  }
0x34: {  	v10 =	vld [tilespmem:$0x76F0]  }
0x35: {  	v11 =	vld [tilespmem:$0x7700];
	v16 =	vperm.xlane v15, v0  }
0x36: {  	v12 =	vld [tilespmem:$0x7710]  }
0x37: {  	v13 =	vld [tilespmem:$0x7720];
	v15 =	vperm.xlane v15, v2;
	v16 =	vadd.s32 v1, v16  }
0x38: {  	v14 =	vld [tilespmem:$0x7730]  }
0x39: {  	v18 =	vld [tilespmem:$0x7740];
	v15 =	vadd.s32 v1, v15  }
0x3a: {  	v19 =	vld [tilespmem:$0x7750]  }
0x3b: {  	v20 =	vld [tilespmem:$0x7760]  }
0x3c: {  	v21 =	vld [tilespmem:$0x7770];
	[tilespmem:s22], [sflag:$0x1] =	stream.indirect_vreg.gather [hbm4b:s1+s7], $0x80, v16, vm0, $0xb8  }
0x3d: {  	s25 =	simm.s32 $0xBF80  }
0x3e: {  	[tilespmem:s25], [sflag:$0x1] =	stream.indirect_vreg.gather [hbm4b:s1+s7], $0x80, v15, vm0, $0xb8;
	[tilespmem:$0x1F780] =	vst v63  }
0x3f: {  	v15 =	vld [tilespmem:$0x10];
	_ =	sdelay $0x4  }
0x40: {  	v16 =	vperm.xlane v15, v0;
	_ =	sdelay $0x1  }
0x41: {  	v15 =	vperm.xlane v15, v2;
	v16 =	vadd.s32 v1, v16;
	_ =	sdelay $0x1  }
0x42: {  	v15 =	vadd.s32 v1, v15;
	_ =	sdelay $0x1  }
0x43: {  	s26 =	simm.s32 $0xC780  }
0x44: {  	[tilespmem:s26], [sflag:$0x1] =	stream.indirect_vreg.gather [hbm4b:s1+s7], $0x80, v16, vm0, $0xb8;
	[tilespmem:$0x1F780] =	vst v63  }
0x45: {  	s28 =	simm.s32 $0xCF80  }
0x46: {  	[tilespmem:s28], [sflag:$0x1] =	stream.indirect_vreg.gather [hbm4b:s1+s7], $0x80, v15, vm0, $0xb8;
	[tilespmem:$0x1F780] =	vst v63  }
0x47: {  	v15 =	vld [tilespmem:$0x20];
	_ =	sdelay $0x4  }
0x48: {  	v16 =	vperm.xlane v15, v0;
	_ =	sdelay $0x1  }
0x49: {  	v15 =	vperm.xlane v15, v2;
	v16 =	vadd.s32 v1, v16;
	_ =	sdelay $0x1  }
0x4a: {  	v15 =	vadd.s32 v1, v15;
	_ =	sdelay $0x1  }
0x4b: {  	s29 =	simm.s32 $0xD780  }
0x4c: {  	[tilespmem:s29], [sflag:$0x1] =	stream.indirect_vreg.gather [hbm4b:s1+s7], $0x80, v16, vm0, $0xb8;
	[tilespmem:$0x1F780] =	vst v63  }
0x4d: {  	s30 =	simm.s32 $0xDF80  }
0x4e: {  	[tilespmem:s30], [sflag:$0x1] =	stream.indirect_vreg.gather [hbm4b:s1+s7], $0x80, v15, vm0, $0xb8;
	[tilespmem:$0x1F780] =	vst v63  }
0x4f: {  	v15 =	vld [tilespmem:$0x30];
	_ =	sdelay $0x4  }
0x50: {  	v16 =	vperm.xlane v15, v0;
	_ =	sdelay $0x1  }
0x51: {  	v15 =	vperm.xlane v15, v2;
	v16 =	vadd.s32 v1, v16;
	_ =	sdelay $0x1  }
0x52: {  	v15 =	vadd.s32 v1, v15;
	_ =	sdelay $0x1  }
0x53: {  	s2 =	simm.s32 $0xE780  }
0x54: {  	[tilespmem:s2], [sflag:$0x1] =	stream.indirect_vreg.gather [hbm4b:s1+s7], $0x80, v16, vm0, $0xb8;
	[tilespmem:$0x1F780] =	vst v63  }
0x55: {  	s3 =	simm.s32 $0xEF80  }
0x56: {  	[tilespmem:s3], [sflag:$0x1] =	stream.indirect_vreg.gather [hbm4b:s1+s7], $0x80, v15, vm0, $0xb8;
	[tilespmem:$0x1F780] =	vst v63  }
0x57: {  	v15 =	vld [tilespmem:$0x40];
	_ =	sdelay $0x4  }
0x58: {  	v16 =	vperm.xlane v15, v0;
	_ =	sdelay $0x1  }
0x59: {  	v15 =	vperm.xlane v15, v2;
	v16 =	vadd.s32 v1, v16;
	_ =	sdelay $0x1  }
0x5a: {  	v15 =	vadd.s32 v1, v15;
	_ =	sdelay $0x1  }
0x5b: {  	s24 =	simm.s32 $0xF780  }
0x5c: {  	[tilespmem:s24], [sflag:$0x1] =	stream.indirect_vreg.gather [hbm4b:s1+s7], $0x80, v16, vm0, $0xb8;
	[tilespmem:$0x1F780] =	vst v63  }
0x5d: {  	s25 =	simm.s32 $0xFF80  }
0x5e: {  	[tilespmem:s25], [sflag:$0x1] =	stream.indirect_vreg.gather [hbm4b:s1+s7], $0x80, v15, vm0, $0xb8;
	[tilespmem:$0x1F780] =	vst v63  }
0x5f: {  	v15 =	vld [tilespmem:$0x50];
	_ =	sdelay $0x4  }
0x60: {  	v16 =	vperm.xlane v15, v0;
	_ =	sdelay $0x1  }
0x61: {  	v15 =	vperm.xlane v15, v2;
	v16 =	vadd.s32 v1, v16;
	_ =	sdelay $0x1  }
0x62: {  	v15 =	vadd.s32 v1, v15;
	_ =	sdelay $0x1  }
0x63: {  	s26 =	simm.s32 $0x10780  }
0x64: {  	[tilespmem:s26], [sflag:$0x1] =	stream.indirect_vreg.gather [hbm4b:s1+s7], $0x80, v16, vm0, $0xb8;
	[tilespmem:$0x1F780] =	vst v63  }
0x65: {  	s28 =	simm.s32 $0x10F80  }
0x66: {  	[tilespmem:s28], [sflag:$0x1] =	stream.indirect_vreg.gather [hbm4b:s1+s7], $0x80, v15, vm0, $0xb8;
	[tilespmem:$0x1F780] =	vst v63  }
0x67: {  	v15 =	vld [tilespmem:$0x60];
	_ =	sdelay $0x4  }
0x68: {  	v16 =	vperm.xlane v15, v0;
	_ =	sdelay $0x1  }
0x69: {  	v15 =	vperm.xlane v15, v2;
	v16 =	vadd.s32 v1, v16;
	_ =	sdelay $0x1  }
0x6a: {  	v15 =	vadd.s32 v1, v15;
	_ =	sdelay $0x1  }
0x6b: {  	s29 =	simm.s32 $0x11780  }
0x6c: {  	[tilespmem:s29], [sflag:$0x1] =	stream.indirect_vreg.gather [hbm4b:s1+s7], $0x80, v16, vm0, $0xb8;
	[tilespmem:$0x1F780] =	vst v63  }
0x6d: {  	s30 =	simm.s32 $0x11F80  }
0x6e: {  	[tilespmem:s30], [sflag:$0x1] =	stream.indirect_vreg.gather [hbm4b:s1+s7], $0x80, v15, vm0, $0xb8;
	[tilespmem:$0x1F780] =	vst v63  }
0x6f: {  	v15 =	vld [tilespmem:$0x70];
	_ =	sdelay $0x4  }
0x70: {  	v16 =	vperm.xlane v15, v0;
	_ =	sdelay $0x1  }
0x71: {  	v15 =	vperm.xlane v15, v2;
	v16 =	vadd.s32 v1, v16;
	_ =	sdelay $0x1  }
0x72: {  	v15 =	vadd.s32 v1, v15;
	_ =	sdelay $0x1  }
0x73: {  	s2 =	simm.s32 $0x12780  }
0x74: {  	[tilespmem:s2], [sflag:$0x1] =	stream.indirect_vreg.gather [hbm4b:s1+s7], $0x80, v16, vm0, $0xb8;
	[tilespmem:$0x1F780] =	vst v63  }
0x75: {  	s3 =	simm.s32 $0x12F80  }
0x76: {  	[tilespmem:s3], [sflag:$0x1] =	stream.indirect_vreg.gather [hbm4b:s1+s7], $0x80, v15, vm0, $0xb8;
	[tilespmem:$0x1F780] =	vst v63  }
0x77: {  	v15 =	vld [tilespmem:$0x2780];
	_ =	sdelay $0x4  }
0x78: {  	v16 =	vperm.xlane v15, v0;
	_ =	sdelay $0x1  }
0x79: {  	v15 =	vperm.xlane v15, v2;
	v16 =	vadd.s32 v1, v16;
	_ =	sdelay $0x1  }
0x7a: {  	v15 =	vadd.s32 v1, v15;
	_ =	sdelay $0x2  }
0x7b: {  	[tilespmem:s10], [sflag:$0x1] =	stream.indirect_vreg.gather [hbm4b:s1+s7], $0x80, v16, vm0, $0xb8;
	[tilespmem:$0x1F780] =	vst v63  }
0x7c: {  	_ = 	snop  }
0x7d: {  	[tilespmem:s11], [sflag:$0x1] =	stream.indirect_vreg.gather [hbm4b:s1+s7], $0x80, v15, vm0, $0xb8;
	[tilespmem:$0x1F780] =	vst v63  }
0x7e: {  	v15 =	vld [tilespmem:$0x2790];
	_ =	sdelay $0x4  }
0x7f: {  	v16 =	vperm.xlane v15, v0;
	_ =	sdelay $0x1  }
0x80: {  	v15 =	vperm.xlane v15, v2;
	v16 =	vadd.s32 v1, v16;
	_ =	sdelay $0x1  }
0x81: {  	v15 =	vadd.s32 v1, v15;
	_ =	sdelay $0x1  }
0x82: {  	s24 =	simm.s32 $0xCB80  }
0x83: {  	[tilespmem:s24], [sflag:$0x1] =	stream.indirect_vreg.gather [hbm4b:s1+s7], $0x80, v16, vm0, $0xb8;
	[tilespmem:$0x1F780] =	vst v63  }
0x84: {  	s25 =	simm.s32 $0xD380  }
0x85: {  	[tilespmem:s25], [sflag:$0x1] =	stream.indirect_vreg.gather [hbm4b:s1+s7], $0x80, v15, vm0, $0xb8;
	[tilespmem:$0x1F780] =	vst v63  }
0x86: {  	v15 =	vld [tilespmem:$0x27A0];
	_ =	sdelay $0x4  }
0x87: {  	v16 =	vperm.xlane v15, v0;
	_ =	sdelay $0x1  }
0x88: {  	v15 =	vperm.xlane v15, v2;
	v16 =	vadd.s32 v1, v16;
	_ =	sdelay $0x1  }
0x89: {  	v15 =	vadd.s32 v1, v15;
	_ =	sdelay $0x1  }
0x8a: {  	s26 =	simm.s32 $0xDB80  }
0x8b: {  	[tilespmem:s26], [sflag:$0x1] =	stream.indirect_vreg.gather [hbm4b:s1+s7], $0x80, v16, vm0, $0xb8;
	[tilespmem:$0x1F780] =	vst v63  }
0x8c: {  	s28 =	simm.s32 $0xE380  }
0x8d: {  	[tilespmem:s28], [sflag:$0x1] =	stream.indirect_vreg.gather [hbm4b:s1+s7], $0x80, v15, vm0, $0xb8;
	[tilespmem:$0x1F780] =	vst v63  }
0x8e: {  	v15 =	vld [tilespmem:$0x27B0];
	_ =	sdelay $0x4  }
0x8f: {  	v16 =	vperm.xlane v15, v0;
	_ =	sdelay $0x1  }
0x90: {  	v15 =	vperm.xlane v15, v2;
	v16 =	vadd.s32 v1, v16;
	_ =	sdelay $0x1  }
0x91: {  	v15 =	vadd.s32 v1, v15;
	_ =	sdelay $0x1  }
0x92: {  	s29 =	simm.s32 $0xEB80  }
0x93: {  	[tilespmem:s29], [sflag:$0x1] =	stream.indirect_vreg.gather [hbm4b:s1+s7], $0x80, v16, vm0, $0xb8;
	[tilespmem:$0x1F780] =	vst v63  }
0x94: {  	s30 =	simm.s32 $0xF380  }
0x95: {  	[tilespmem:s30], [sflag:$0x1] =	stream.indirect_vreg.gather [hbm4b:s1+s7], $0x80, v15, vm0, $0xb8;
	[tilespmem:$0x1F780] =	vst v63  }
0x96: {  	v15 =	vld [tilespmem:$0x27C0];
	_ =	sdelay $0x4  }
0x97: {  	v16 =	vperm.xlane v15, v0;
	_ =	sdelay $0x1  }
0x98: {  	v15 =	vperm.xlane v15, v2;
	v16 =	vadd.s32 v1, v16;
	_ =	sdelay $0x1  }
0x99: {  	v15 =	vadd.s32 v1, v15;
	_ =	sdelay $0x1  }
0x9a: {  	s2 =	simm.s32 $0xFB80  }
0x9b: {  	[tilespmem:s2], [sflag:$0x1] =	stream.indirect_vreg.gather [hbm4b:s1+s7], $0x80, v16, vm0, $0xb8;
	[tilespmem:$0x1F780] =	vst v63  }
0x9c: {  	s3 =	simm.s32 $0x10380  }
0x9d: {  	[tilespmem:s3], [sflag:$0x1] =	stream.indirect_vreg.gather [hbm4b:s1+s7], $0x80, v15, vm0, $0xb8;
	[tilespmem:$0x1F780] =	vst v63  }
0x9e: {  	v15 =	vld [tilespmem:$0x27D0];
	_ =	sdelay $0x4  }
0x9f: {  	v16 =	vperm.xlane v15, v0;
	_ =	sdelay $0x1  }
0xa0: {  	v15 =	vperm.xlane v15, v2;
	v16 =	vadd.s32 v1, v16;
	_ =	sdelay $0x1  }
0xa1: {  	v15 =	vadd.s32 v1, v15;
	_ =	sdelay $0x1  }
0xa2: {  	s24 =	simm.s32 $0x10B80  }
0xa3: {  	[tilespmem:s24], [sflag:$0x1] =	stream.indirect_vreg.gather [hbm4b:s1+s7], $0x80, v16, vm0, $0xb8;
	[tilespmem:$0x1F780] =	vst v63  }
0xa4: {  	s25 =	simm.s32 $0x11380  }
0xa5: {  	[tilespmem:s25], [sflag:$0x1] =	stream.indirect_vreg.gather [hbm4b:s1+s7], $0x80, v15, vm0, $0xb8;
	[tilespmem:$0x1F780] =	vst v63  }
0xa6: {  	v15 =	vld [tilespmem:$0x27E0];
	_ =	sdelay $0x4  }
0xa7: {  	v16 =	vperm.xlane v15, v0;
	_ =	sdelay $0x1  }
0xa8: {  	v15 =	vperm.xlane v15, v2;
	v16 =	vadd.s32 v1, v16;
	_ =	sdelay $0x1  }
0xa9: {  	v15 =	vadd.s32 v1, v15;
	_ =	sdelay $0x1  }
0xaa: {  	s26 =	simm.s32 $0x11B80  }
0xab: {  	[tilespmem:s26], [sflag:$0x1] =	stream.indirect_vreg.gather [hbm4b:s1+s7], $0x80, v16, vm0, $0xb8;
	[tilespmem:$0x1F780] =	vst v63  }
0xac: {  	s28 =	simm.s32 $0x12380  }
0xad: {  	[tilespmem:s28], [sflag:$0x1] =	stream.indirect_vreg.gather [hbm4b:s1+s7], $0x80, v15, vm0, $0xb8;
	[tilespmem:$0x1F780] =	vst v63  }
0xae: {  	v15 =	vld [tilespmem:$0x27F0];
	_ =	sdelay $0x4  }
0xaf: {  	v16 =	vperm.xlane v15, v0;
	_ =	sdelay $0x1  }
0xb0: {  	v15 =	vperm.xlane v15, v2;
	v16 =	vadd.s32 v1, v16;
	_ =	sdelay $0x1  }
0xb1: {  	v15 =	vadd.s32 v1, v15;
	_ =	sdelay $0x1  }
0xb2: {  	s29 =	simm.s32 $0x12B80  }
0xb3: {  	[tilespmem:s29], [sflag:$0x1] =	stream.indirect_vreg.gather [hbm4b:s1+s7], $0x80, v16, vm0, $0xb8;
	[tilespmem:$0x1F780] =	vst v63  }
0xb4: {  	s30 =	simm.s32 $0x13380  }
0xb5: {  	[tilespmem:s30], [sflag:$0x1] =	stream.indirect_vreg.gather [hbm4b:s1+s7], $0x80, v15, vm0, $0xb8;
	[tilespmem:$0x1F780] =	vst v63  }
0xb6: {  	v15 =	vld [tilespmem:$0x80];
	_ =	sdelay $0x4  }
0xb7: {  	v16 =	vperm.xlane v15, v0;
	_ =	sdelay $0x1  }
0xb8: {  	v15 =	vperm.xlane v15, v2;
	v16 =	vadd.s32 v1, v16;
	_ =	sdelay $0x1  }
0xb9: {  	v15 =	vadd.s32 v1, v15;
	_ =	sdelay $0x2  }
0xba: {  	[tilespmem:s31], [sflag:$0x2] =	stream.indirect_vreg.gather [hbm4b:s1+s7], $0x80, v16, vm0, $0xb8;
	[tilespmem:$0x1F780] =	vst v63  }
0xbb: {  	s2 =	simm.s32 $0x17F80  }
0xbc: {  	[tilespmem:s2], [sflag:$0x2] =	stream.indirect_vreg.gather [hbm4b:s1+s7], $0x80, v15, vm0, $0xb8;
	[tilespmem:$0x1F780] =	vst v63  }
0xbd: {  	v15 =	vld [tilespmem:$0x90];
	_ =	sdelay $0x4  }
0xbe: {  	v16 =	vperm.xlane v15, v0;
	_ =	sdelay $0x1  }
0xbf: {  	v15 =	vperm.xlane v15, v2;
	v16 =	vadd.s32 v1, v16;
	_ =	sdelay $0x1  }
0xc0: {  	v15 =	vadd.s32 v1, v15;
	_ =	sdelay $0x1  }
0xc1: {  	s3 =	simm.s32 $0x18780  }
0xc2: {  	[tilespmem:s3], [sflag:$0x2] =	stream.indirect_vreg.gather [hbm4b:s1+s7], $0x80, v16, vm0, $0xb8;
	[tilespmem:$0x1F780] =	vst v63  }
0xc3: {  	s24 =	simm.s32 $0x18F80  }
0xc4: {  	[tilespmem:s24], [sflag:$0x2] =	stream.indirect_vreg.gather [hbm4b:s1+s7], $0x80, v15, vm0, $0xb8;
	[tilespmem:$0x1F780] =	vst v63  }
0xc5: {  	v15 =	vld [tilespmem:$0xA0];
	_ =	sdelay $0x4  }
0xc6: {  	v16 =	vperm.xlane v15, v0;
	_ =	sdelay $0x1  }
0xc7: {  	v15 =	vperm.xlane v15, v2;
	v16 =	vadd.s32 v1, v16;
	_ =	sdelay $0x1  }
0xc8: {  	v15 =	vadd.s32 v1, v15;
	_ =	sdelay $0x1  }
0xc9: {  	s25 =	simm.s32 $0x19780  }
0xca: {  	[tilespmem:s25], [sflag:$0x2] =	stream.indirect_vreg.gather [hbm4b:s1+s7], $0x80, v16, vm0, $0xb8;
	[tilespmem:$0x1F780] =	vst v63  }
0xcb: {  	s26 =	simm.s32 $0x19F80  }
0xcc: {  	[tilespmem:s26], [sflag:$0x2] =	stream.indirect_vreg.gather [hbm4b:s1+s7], $0x80, v15, vm0, $0xb8;
	[tilespmem:$0x1F780] =	vst v63  }
0xcd: {  	v15 =	vld [tilespmem:$0xB0];
	_ =	sdelay $0x4  }
0xce: {  	v16 =	vperm.xlane v15, v0;
	_ =	sdelay $0x1  }
0xcf: {  	v15 =	vperm.xlane v15, v2;
	v16 =	vadd.s32 v1, v16;
	_ =	sdelay $0x1  }
0xd0: {  	v15 =	vadd.s32 v1, v15;
	_ =	sdelay $0x1  }
0xd1: {  	s28 =	simm.s32 $0x1A780  }
0xd2: {  	[tilespmem:s28], [sflag:$0x2] =	stream.indirect_vreg.gather [hbm4b:s1+s7], $0x80, v16, vm0, $0xb8;
	[tilespmem:$0x1F780] =	vst v63  }
0xd3: {  	s29 =	simm.s32 $0x1AF80  }
0xd4: {  	[tilespmem:s29], [sflag:$0x2] =	stream.indirect_vreg.gather [hbm4b:s1+s7], $0x80, v15, vm0, $0xb8;
	[tilespmem:$0x1F780] =	vst v63  }
0xd5: {  	v15 =	vld [tilespmem:$0xC0];
	_ =	sdelay $0x4  }
0xd6: {  	v16 =	vperm.xlane v15, v0;
	_ =	sdelay $0x1  }
0xd7: {  	v15 =	vperm.xlane v15, v2;
	v16 =	vadd.s32 v1, v16;
	_ =	sdelay $0x1  }
0xd8: {  	v15 =	vadd.s32 v1, v15;
	_ =	sdelay $0x1  }
0xd9: {  	s30 =	simm.s32 $0x1B780  }
0xda: {  	[tilespmem:s30], [sflag:$0x2] =	stream.indirect_vreg.gather [hbm4b:s1+s7], $0x80, v16, vm0, $0xb8;
	[tilespmem:$0x1F780] =	vst v63  }
0xdb: {  	s2 =	simm.s32 $0x1BF80  }
0xdc: {  	[tilespmem:s2], [sflag:$0x2] =	stream.indirect_vreg.gather [hbm4b:s1+s7], $0x80, v15, vm0, $0xb8;
	[tilespmem:$0x1F780] =	vst v63  }
0xdd: {  	v15 =	vld [tilespmem:$0xD0];
	_ =	sdelay $0x4  }
0xde: {  	v16 =	vperm.xlane v15, v0;
	_ =	sdelay $0x1  }
0xdf: {  	v15 =	vperm.xlane v15, v2;
	v16 =	vadd.s32 v1, v16;
	_ =	sdelay $0x1  }
0xe0: {  	v15 =	vadd.s32 v1, v15;
	_ =	sdelay $0x1  }
0xe1: {  	s3 =	simm.s32 $0x1C780  }
0xe2: {  	[tilespmem:s3], [sflag:$0x2] =	stream.indirect_vreg.gather [hbm4b:s1+s7], $0x80, v16, vm0, $0xb8;
	[tilespmem:$0x1F780] =	vst v63  }
0xe3: {  	s24 =	simm.s32 $0x1CF80  }
0xe4: {  	[tilespmem:s24], [sflag:$0x2] =	stream.indirect_vreg.gather [hbm4b:s1+s7], $0x80, v15, vm0, $0xb8;
	[tilespmem:$0x1F780] =	vst v63  }
0xe5: {  	v15 =	vld [tilespmem:$0xE0];
	_ =	sdelay $0x4  }
0xe6: {  	v16 =	vperm.xlane v15, v0;
	_ =	sdelay $0x1  }
0xe7: {  	v15 =	vperm.xlane v15, v2;
	v16 =	vadd.s32 v1, v16;
	_ =	sdelay $0x1  }
0xe8: {  	v15 =	vadd.s32 v1, v15;
	_ =	sdelay $0x1  }
0xe9: {  	s25 =	simm.s32 $0x1D780  }
0xea: {  	[tilespmem:s25], [sflag:$0x2] =	stream.indirect_vreg.gather [hbm4b:s1+s7], $0x80, v16, vm0, $0xb8;
	[tilespmem:$0x1F780] =	vst v63  }
0xeb: {  	s26 =	simm.s32 $0x1DF80  }
0xec: {  	[tilespmem:s26], [sflag:$0x2] =	stream.indirect_vreg.gather [hbm4b:s1+s7], $0x80, v15, vm0, $0xb8;
	[tilespmem:$0x1F780] =	vst v63  }
0xed: {  	v15 =	vld [tilespmem:$0xF0];
	_ =	sdelay $0x4  }
0xee: {  	v16 =	vperm.xlane v15, v0;
	_ =	sdelay $0x1  }
0xef: {  	v15 =	vperm.xlane v15, v2;
	v16 =	vadd.s32 v1, v16;
	_ =	sdelay $0x1  }
0xf0: {  	v15 =	vadd.s32 v1, v15;
	_ =	sdelay $0x1  }
0xf1: {  	s28 =	simm.s32 $0x1E780  }
0xf2: {  	[tilespmem:s28], [sflag:$0x2] =	stream.indirect_vreg.gather [hbm4b:s1+s7], $0x80, v16, vm0, $0xb8;
	[tilespmem:$0x1F780] =	vst v63  }
0xf3: {  	s29 =	simm.s32 $0x1EF80  }
0xf4: {  	[tilespmem:s29], [sflag:$0x2] =	stream.indirect_vreg.gather [hbm4b:s1+s7], $0x80, v15, vm0, $0xb8;
	[tilespmem:$0x1F780] =	vst v63  }
0xf5: {  	v15 =	vld [tilespmem:$0x2800];
	_ =	sdelay $0x4  }
0xf6: {  	v16 =	vperm.xlane v15, v0;
	_ =	sdelay $0x1  }
0xf7: {  	v15 =	vperm.xlane v15, v2;
	v16 =	vadd.s32 v1, v16;
	_ =	sdelay $0x1  }
0xf8: {  	v15 =	vadd.s32 v1, v15;
	_ =	sdelay $0x1  }
0xf9: {  	s30 =	simm.s32 $0x17B80  }
0xfa: {  	[tilespmem:s30], [sflag:$0x2] =	stream.indirect_vreg.gather [hbm4b:s1+s7], $0x80, v16, vm0, $0xb8;
	[tilespmem:$0x1F780] =	vst v63  }
0xfb: {  	s2 =	simm.s32 $0x18380  }
0xfc: {  	[tilespmem:s2], [sflag:$0x2] =	stream.indirect_vreg.gather [hbm4b:s1+s7], $0x80, v15, vm0, $0xb8;
	[tilespmem:$0x1F780] =	vst v63  }
0xfd: {  	v15 =	vld [tilespmem:$0x2810];
	_ =	sdelay $0x4  }
0xfe: {  	v16 =	vperm.xlane v15, v0;
	_ =	sdelay $0x1  }
0xff: {  	v15 =	vperm.xlane v15, v2;
	v16 =	vadd.s32 v1, v16;
	_ =	sdelay $0x1  }
0x100: {  	v15 =	vadd.s32 v1, v15;
	_ =	sdelay $0x1  }
0x101: {  	s3 =	simm.s32 $0x18B80  }
0x102: {  	[tilespmem:s3], [sflag:$0x2] =	stream.indirect_vreg.gather [hbm4b:s1+s7], $0x80, v16, vm0, $0xb8;
	[tilespmem:$0x1F780] =	vst v63  }
0x103: {  	s24 =	simm.s32 $0x19380  }
0x104: {  	[tilespmem:s24], [sflag:$0x2] =	stream.indirect_vreg.gather [hbm4b:s1+s7], $0x80, v15, vm0, $0xb8;
	[tilespmem:$0x1F780] =	vst v63  }
0x105: {  	v15 =	vld [tilespmem:$0x2820];
	_ =	sdelay $0x4  }
0x106: {  	v16 =	vperm.xlane v15, v0;
	_ =	sdelay $0x1  }
0x107: {  	v15 =	vperm.xlane v15, v2;
	v16 =	vadd.s32 v1, v16;
	_ =	sdelay $0x1  }
0x108: {  	v15 =	vadd.s32 v1, v15;
	_ =	sdelay $0x1  }
0x109: {  	s25 =	simm.s32 $0x19B80  }
0x10a: {  	[tilespmem:s25], [sflag:$0x2] =	stream.indirect_vreg.gather [hbm4b:s1+s7], $0x80, v16, vm0, $0xb8;
	[tilespmem:$0x1F780] =	vst v63  }
0x10b: {  	s26 =	simm.s32 $0x1A380  }
0x10c: {  	[tilespmem:s26], [sflag:$0x2] =	stream.indirect_vreg.gather [hbm4b:s1+s7], $0x80, v15, vm0, $0xb8;
	[tilespmem:$0x1F780] =	vst v63  }
0x10d: {  	v15 =	vld [tilespmem:$0x2830];
	_ =	sdelay $0x4  }
0x10e: {  	v16 =	vperm.xlane v15, v0;
	_ =	sdelay $0x1  }
0x10f: {  	v15 =	vperm.xlane v15, v2;
	v16 =	vadd.s32 v1, v16;
	_ =	sdelay $0x1  }
0x110: {  	v15 =	vadd.s32 v1, v15;
	_ =	sdelay $0x1  }
0x111: {  	s28 =	simm.s32 $0x1AB80  }
0x112: {  	[tilespmem:s28], [sflag:$0x2] =	stream.indirect_vreg.gather [hbm4b:s1+s7], $0x80, v16, vm0, $0xb8;
	[tilespmem:$0x1F780] =	vst v63  }
0x113: {  	s29 =	simm.s32 $0x1B380  }
0x114: {  	[tilespmem:s29], [sflag:$0x2] =	stream.indirect_vreg.gather [hbm4b:s1+s7], $0x80, v15, vm0, $0xb8;
	[tilespmem:$0x1F780] =	vst v63  }
0x115: {  	v15 =	vld [tilespmem:$0x2840];
	_ =	sdelay $0x4  }
0x116: {  	v16 =	vperm.xlane v15, v0;
	_ =	sdelay $0x1  }
0x117: {  	v15 =	vperm.xlane v15, v2;
	v16 =	vadd.s32 v1, v16;
	_ =	sdelay $0x1  }
0x118: {  	v15 =	vadd.s32 v1, v15;
	_ =	sdelay $0x1  }
0x119: {  	s30 =	simm.s32 $0x1BB80  }
0x11a: {  	[tilespmem:s30], [sflag:$0x2] =	stream.indirect_vreg.gather [hbm4b:s1+s7], $0x80, v16, vm0, $0xb8;
	[tilespmem:$0x1F780] =	vst v63  }
0x11b: {  	_ = 	snop  }
0x11c: {  	[tilespmem:s19], [sflag:$0x2] =	stream.indirect_vreg.gather [hbm4b:s1+s7], $0x80, v15, vm0, $0xb8;
	[tilespmem:$0x1F780] =	vst v63  }
0x11d: {  	v15 =	vld [tilespmem:$0x2850];
	_ =	sdelay $0x4  }
0x11e: {  	v16 =	vperm.xlane v15, v0;
	_ =	sdelay $0x1  }
0x11f: {  	v15 =	vperm.xlane v15, v2;
	v16 =	vadd.s32 v1, v16;
	_ =	sdelay $0x1  }
0x120: {  	v15 =	vadd.s32 v1, v15;
	_ =	sdelay $0x2  }
0x121: {  	[tilespmem:s20], [sflag:$0x2] =	stream.indirect_vreg.gather [hbm4b:s1+s7], $0x80, v16, vm0, $0xb8;
	[tilespmem:$0x1F780] =	vst v63  }
0x122: {  	_ = 	snop  }
0x123: {  	[tilespmem:s21], [sflag:$0x2] =	stream.indirect_vreg.gather [hbm4b:s1+s7], $0x80, v15, vm0, $0xb8;
	[tilespmem:$0x1F780] =	vst v63  }
0x124: {  	v15 =	vld [tilespmem:$0x2860];
	_ =	sdelay $0x4  }
0x125: {  	v16 =	vperm.xlane v15, v0;
	_ =	sdelay $0x1  }
0x126: {  	v15 =	vperm.xlane v15, v2;
	v16 =	vadd.s32 v1, v16;
	_ =	sdelay $0x1  }
0x127: {  	v15 =	vadd.s32 v1, v15;
	_ =	sdelay $0x2  }
0x128: {  	[tilespmem:s9], [sflag:$0x2] =	stream.indirect_vreg.gather [hbm4b:s1+s7], $0x80, v16, vm0, $0xb8;
	[tilespmem:$0x1F780] =	vst v63  }
0x129: {  	_ = 	snop  }
0x12a: {  	[tilespmem:s12], [sflag:$0x2] =	stream.indirect_vreg.gather [hbm4b:s1+s7], $0x80, v15, vm0, $0xb8;
	[tilespmem:$0x1F780] =	vst v63  }
0x12b: {  	v15 =	vld [tilespmem:$0x2870];
	_ =	sdelay $0x4  }
0x12c: {  	v16 =	vperm.xlane v15, v0;
	_ =	sdelay $0x1  }
0x12d: {  	v15 =	vperm.xlane v15, v2;
	v16 =	vadd.s32 v1, v16;
	_ =	sdelay $0x1  }
0x12e: {  	v22 =	vadd.s32 v1, v15;
	_ =	sdelay $0x1  }
0x12f: {  	v17 =	vsub.f32 v11, v9;
	v14 =	vsub.f32 v14, v6  }
0x130: {  	v11 =	vsub.f32 v20, v3;
	v15 =	vsub.f32 v13, v7;
	[tilespmem:s13], [sflag:$0x2] =	stream.indirect_vreg.gather [hbm4b:s1+s7], $0x80, v16, vm0, $0xb8;
	[tilespmem:$0x1F780] =	vst v63  }
0x131: {  	s25 =	simm.s32 $0x77C0;
	s26 =	simm.s32 $0x0;
	v13 =	vsub.f32 v18, v4;
	v18 =	vsub.f32 v21, v10  }
0x132: {  	v16 =	vsub.f32 v12, v8;
	v12 =	vsub.f32 v19, v5;
	[tilespmem:s14], [sflag:$0x2] =	stream.indirect_vreg.gather [hbm4b:s1+s7], $0x80, v22, vm0, $0xb8;
	[tilespmem:$0x1F780] =	vst v63  }
.LBB2_2:
0x133: {  	s0 =	sshll.u32 s26, $0x4  }
0x134: {  	v19 =	vld [tilespmem:s0+$0x4F00];
	_ =	sdelay $0x2  }
0x135: {  	s28 =	simm.s32 $0x0  }
0x136: {  	v20 =	vmov s28  }
0x137: {  	v20 =	vperm.xlane v19, v20;
	_ =	sdelay $0x1  }
0x138: {  	v20 =	vcvt.s32.f32 v20;
	_ =	sdelay $0x1  }
0x139: {  	s29 =	simm.s32 $0x1;
	v21 =	vmul.f32 v20, v18  }
0x13a: {  	v24 =	vmov s29;
	v22 =	vmul.f32 v20, v17  }
0x13b: {  	v24 =	vperm.xlane v19, v24;
	v23 =	vmul.f32 v20, v16;
	v21 =	vadd.f32 v21, v10  }
0x13c: {  	v25 =	vmul.f32 v20, v15;
	v22 =	vadd.f32 v22, v9  }
0x13d: {  	s30 =	simm.s32 $0x2;
	v30 =	vcvt.s32.f32 v24;
	v27 =	vmul.f32 v20, v13;
	v23 =	vadd.f32 v23, v8;
	[tilespmem:s25+$0x30] =	vst v21  }
0x13e: {  	v29 =	vmov s30;
	v26 =	vmul.f32 v20, v14;
	v25 =	vadd.f32 v25, v7;
	[tilespmem:s25+$0xFFFFFFC0] =	vst v22  }
0x13f: {  	v28 =	vmul.f32 v30, v18;
	v27 =	vadd.f32 v27, v4;
	v21 =	vmul.f32 v20, v12;
	[tilespmem:s25+$0xFFFFFFD0] =	vst v23  }
0x140: {  	v24 =	vmul.f32 v30, v15;
	v20 =	vmul.f32 v20, v11;
	v22 =	vadd.f32 v26, v6;
	[tilespmem:s25+$0xFFFFFFE0] =	vst v25  }
0x141: {  	v23 =	vmul.f32 v30, v17;
	v26 =	vmul.f32 v30, v16;
	[tilespmem:s25+$0x0] =	vst v27;
	v31 =	vadd.f32 v21, v5  }
0x142: {  	v28 =	vadd.f32 v28, v10;
	v25 =	vmul.f32 v30, v14;
	v27 =	vmul.f32 v30, v12;
	[tilespmem:s25+$0xFFFFFFF0] =	vst v22  }
0x143: {  	s3 =	simm.s32 $0x3;
	s24 =	sadd.s32 $0x80, s25;
	s0 =	smov.u32 s25;
	v20 =	vadd.f32 v20, v3;
	v21 =	vmul.f32 v30, v13;
	v22 =	vmul.f32 v30, v11;
	[tilespmem:s25+$0x10] =	vst v31  }
.LBB2_3:
0x144: {  	p0 =	sne.s32 s3, $0xF;
	v29 =	vperm.xlane v19, v29;
	v23 =	vadd.f32 v23, v9;
	v26 =	vadd.f32 v26, v8;
	[tilespmem:s24+$0x30] =	vst v28  }
0x145: {  	v24 =	vadd.f32 v24, v7;
	v25 =	vadd.f32 v25, v6;
	[tilespmem:s0+$0x20] =	vst v20;
	s0 =	smov.u32 s24  }
0x146: {  	v31 =	vadd.f32 v27, v5;
	v30 =	vcvt.s32.f32 v29;
	[tilespmem:s24+$0xFFFFFFC0] =	vst v23;
	v29 =	vadd.f32 v21, v4  }
.Ltmp0:
0x147: {  	v20 =	vadd.f32 v22, v3;
	[tilespmem:s24+$0xFFFFFFD0] =	vst v26;
	(pc) =	sbr.rel @p0 .LBB2_3-.Ltmp0, $4  }
0x148: {  	v23 =	vmul.f32 v30, v17;
	v22 =	vmul.f32 v30, v18;
	[tilespmem:s24+$0xFFFFFFE0] =	vst v24  }
0x149: {  	v26 =	vmul.f32 v30, v16;
	v24 =	vmul.f32 v30, v15;
	[tilespmem:s24+$0xFFFFFFF0] =	vst v25  }
0x14a: {  	v21 =	vmul.f32 v30, v13;
	v25 =	vmul.f32 v30, v14;
	v28 =	vadd.f32 v22, v10;
	[tilespmem:s24+$0x0] =	vst v29  }
0x14b: {  	v27 =	vmul.f32 v30, v12;
	v29 =	vmov s3;
	s3 =	sadd.s32 $0x1, s3;
	v22 =	vmul.f32 v30, v11;
	s24 =	sadd.s32 $0x80, s24;
	[tilespmem:s0+$0x10] =	vst v31  }
0x14c: {  	v19 =	vperm.xlane v19, v29;
	v23 =	vadd.f32 v23, v9;
	[tilespmem:s24+$0x30] =	vst v28  }
0x14d: {  	v26 =	vadd.f32 v26, v8;
	[tilespmem:s0+$0x20] =	vst v20  }
0x14e: {  	v56 =	vadd.f32 v25, v6;
	v19 =	vcvt.s32.f32 v19;
	[tilespmem:s24+$0xFFFFFFC0] =	vst v23  }
0x14f: {  	v20 =	vadd.f32 v24, v7;
	[tilespmem:s24+$0xFFFFFFD0] =	vst v26  }
0x150: {  	v21 =	vadd.f32 v21, v4;
	[tilespmem:s24+$0xFFFFFFF0] =	vst v56;
	v57 =	vmul.f32 v19, v18  }
0x151: {  	[tilespmem:s24+$0xFFFFFFE0] =	vst v20;
	v20 =	vadd.f32 v27, v5;
	v58 =	vmul.f32 v19, v17  }
0x152: {  	[tilespmem:s24+$0x0] =	vst v21;
	v60 =	vmul.f32 v19, v16;
	v24 =	vadd.f32 v57, v10  }
0x153: {  	s30 =	sadd.s32 $0x80, s24;
	[tilespmem:s24+$0x10] =	vst v20;
	v23 =	vadd.f32 v58, v9  }
0x154: {  	v59 =	vadd.f32 v22, v3;
	v20 =	vmul.f32 v19, v15;
	v22 =	vadd.f32 v60, v8;
	[tilespmem:s30+$0x30] =	vst v24  }
0x155: {  	v61 =	vmul.f32 v19, v14;
	[tilespmem:s30+$0xFFFFFFC0] =	vst v23  }
0x156: {  	s26 =	sadd.s32 $0x1, s26;
	v62 =	vmul.f32 v19, v13;
	v20 =	vadd.f32 v20, v7;
	[tilespmem:s30+$0xFFFFFFD0] =	vst v22  }
0x157: {  	p0 =	sne.s32 s26, $0x8;
	v63 =	vmul.f32 v19, v12;
	v19 =	vmul.f32 v19, v11;
	v24 =	vadd.f32 v61, v6;
	[tilespmem:s24+$0x20] =	vst v59  }
.Ltmp1:
0x158: {  	v21 =	vadd.f32 v62, v4;
	[tilespmem:s30+$0xFFFFFFE0] =	vst v20;
	(pc) =	sbr.rel @p0 .LBB2_2-.Ltmp1, $4  }
0x159: {  	v19 =	vadd.f32 v19, v3;
	[tilespmem:s30+$0xFFFFFFF0] =	vst v24  }
0x15a: {  	v20 =	vadd.f32 v63, v5;
	[tilespmem:s30+$0x0] =	vst v21  }
0x15b: {  	[tilespmem:s30+$0x20] =	vst v19  }
0x15c: {  	s25 =	sadd.s32 $0x800, s25;
	s24 =	simm.s32 $0x0;
	[tilespmem:s30+$0x10] =	vst v20  }
0x15d: {  	s25 =	simm.s32 $0x0  }
.LBB2_6:
0x15e: {  	_ =	swait.ge [sflag:s23], $0x4000  }
0x15f: {  	[sflag:s23] =	ssyncset.done $0x0  }
0x160: {  	s26 =	sshll.u32 s25, $0x8;
	[sflag:s23] =	ssyncadd.s32 $0xFFFFC000  }
0x161: {  	s30 =	simm.s32 $0x0;
	s0 =	sadd.s32 s6, s26;
	_ =	swait.ge [sflag:s23], $0x4000  }
0x162: {  	s29 =	sadd.s32 $0x4F80, s26;
	s2 =	sshll.u32 s0, $0x4;
	[sflag:s23] =	ssyncset.done $0x0  }
0x163: {  	s0 =	sshll.u32 s0, $0x5;
	s2 =	sadd.s32 s4, s2;
	[sflag:s23] =	ssyncadd.s32 $0xFFFFC000  }
0x164: {  	[hbm4b:s2+s24] =	stream.linear.scatter [tilespmem:s15], [sflag:$0x3], $0x4000, $0x38;
	[tilespmem:$0x1F780] =	vst v63  }
0x165: {  	s28 =	sor.u32 $0x80, s26;
	s0 =	sadd.s32 s5, s0;
	s2 =	simm.s32 $0x137C0  }
0x166: {  	v19 =	vmov s29;
	[hbm4b:s0+s24] =	stream.linear.scatter [tilespmem:s22], [sflag:$0x3], $0x8000, $0x38;
	[tilespmem:$0x1F780] =	vst v63  }
.LBB2_7:
0x167: {  	_ =	sdelay $0x2  }
0x168: {  	s0 =	sshll.u32 s30, $0x4  }
0x169: {  	v20 =	vld.idx.msk [tilespmem:v19+s0+$0x0 ss:$0x1], $0xffff;
	_ =	sdelay $0x2  }
0x16a: {  	s3 =	simm.s32 $0x0  }
0x16b: {  	v21 =	vmov s3  }
0x16c: {  	v21 =	vperm.xlane v20, v21;
	_ =	sdelay $0x1  }
0x16d: {  	v21 =	vcvt.s32.f32 v21;
	_ =	sdelay $0x1  }
0x16e: {  	s3 =	simm.s32 $0x1;
	v22 =	vmul.f32 v21, v18  }
0x16f: {  	v25 =	vmov s3;
	v23 =	vmul.f32 v21, v17  }
0x170: {  	v25 =	vperm.xlane v20, v25;
	v24 =	vmul.f32 v21, v16;
	v22 =	vadd.f32 v22, v10  }
0x171: {  	v26 =	vmul.f32 v21, v15;
	v23 =	vadd.f32 v23, v9  }
0x172: {  	s3 =	simm.s32 $0x2;
	v31 =	vcvt.s32.f32 v25;
	v28 =	vmul.f32 v21, v13;
	v24 =	vadd.f32 v24, v8;
	[tilespmem:s2+$0x30] =	vst v22  }
0x173: {  	v30 =	vmov s3;
	v27 =	vmul.f32 v21, v14;
	v26 =	vadd.f32 v26, v7;
	[tilespmem:s2+$0xFFFFFFC0] =	vst v23  }
0x174: {  	v29 =	vmul.f32 v31, v18;
	v28 =	vadd.f32 v28, v4;
	v22 =	vmul.f32 v21, v12;
	[tilespmem:s2+$0xFFFFFFD0] =	vst v24  }
0x175: {  	v25 =	vmul.f32 v31, v15;
	v21 =	vmul.f32 v21, v11;
	v23 =	vadd.f32 v27, v6;
	[tilespmem:s2+$0xFFFFFFE0] =	vst v26  }
0x176: {  	v24 =	vmul.f32 v31, v17;
	v27 =	vmul.f32 v31, v16;
	[tilespmem:s2+$0x0] =	vst v28;
	v32 =	vadd.f32 v22, v5  }
0x177: {  	v29 =	vadd.f32 v29, v10;
	v26 =	vmul.f32 v31, v14;
	v28 =	vmul.f32 v31, v12;
	[tilespmem:s2+$0xFFFFFFF0] =	vst v23  }
0x178: {  	s29 =	smov.u32 s2;
	s0 =	simm.s32 $0x3;
	s3 =	sadd.s32 $0x80, s2;
	v21 =	vadd.f32 v21, v3;
	v22 =	vmul.f32 v31, v13;
	v23 =	vmul.f32 v31, v11;
	[tilespmem:s2+$0x10] =	vst v32  }
.LBB2_8:
0x179: {  	p0 =	sne.s32 s0, $0xF;
	v30 =	vperm.xlane v20, v30;
	v24 =	vadd.f32 v24, v9;
	v27 =	vadd.f32 v27, v8;
	[tilespmem:s3+$0x30] =	vst v29  }
0x17a: {  	v25 =	vadd.f32 v25, v7;
	v26 =	vadd.f32 v26, v6;
	[tilespmem:s29+$0x20] =	vst v21;
	s29 =	smov.u32 s3  }
0x17b: {  	v32 =	vadd.f32 v28, v5;
	v31 =	vcvt.s32.f32 v30;
	[tilespmem:s3+$0xFFFFFFC0] =	vst v24;
	v30 =	vadd.f32 v22, v4  }
.Ltmp2:
0x17c: {  	v21 =	vadd.f32 v23, v3;
	[tilespmem:s3+$0xFFFFFFD0] =	vst v27;
	(pc) =	sbr.rel @p0 .LBB2_8-.Ltmp2, $4  }
0x17d: {  	v24 =	vmul.f32 v31, v17;
	v23 =	vmul.f32 v31, v18;
	[tilespmem:s3+$0xFFFFFFE0] =	vst v25  }
0x17e: {  	v27 =	vmul.f32 v31, v16;
	v25 =	vmul.f32 v31, v15;
	[tilespmem:s3+$0xFFFFFFF0] =	vst v26  }
0x17f: {  	v22 =	vmul.f32 v31, v13;
	v26 =	vmul.f32 v31, v14;
	v29 =	vadd.f32 v23, v10;
	[tilespmem:s3+$0x0] =	vst v30  }
0x180: {  	v28 =	vmul.f32 v31, v12;
	v30 =	vmov s0;
	s0 =	sadd.s32 $0x1, s0;
	v23 =	vmul.f32 v31, v11;
	s3 =	sadd.s32 $0x80, s3;
	[tilespmem:s29+$0x10] =	vst v32  }
0x181: {  	v20 =	vperm.xlane v20, v30;
	v24 =	vadd.f32 v24, v9;
	[tilespmem:s3+$0x30] =	vst v29  }
0x182: {  	v27 =	vadd.f32 v27, v8;
	[tilespmem:s29+$0x20] =	vst v21  }
0x183: {  	v52 =	vadd.f32 v25, v7;
	v20 =	vcvt.s32.f32 v20;
	[tilespmem:s3+$0xFFFFFFC0] =	vst v24  }
0x184: {  	v53 =	vadd.f32 v26, v6;
	[tilespmem:s3+$0xFFFFFFD0] =	vst v27  }
0x185: {  	v22 =	vadd.f32 v22, v4;
	[tilespmem:s3+$0xFFFFFFE0] =	vst v52;
	v54 =	vmul.f32 v20, v18  }
0x186: {  	v55 =	vadd.f32 v28, v5;
	[tilespmem:s3+$0xFFFFFFF0] =	vst v53;
	v56 =	vmul.f32 v20, v17  }
0x187: {  	[tilespmem:s3+$0x0] =	vst v22;
	v58 =	vmul.f32 v20, v16;
	v25 =	vadd.f32 v54, v10  }
0x188: {  	s0 =	sadd.s32 $0x80, s3;
	[tilespmem:s3+$0x10] =	vst v55;
	v59 =	vmul.f32 v20, v15;
	v24 =	vadd.f32 v56, v9  }
0x189: {  	v57 =	vadd.f32 v23, v3;
	v23 =	vadd.f32 v58, v8;
	[tilespmem:s0+$0x30] =	vst v25  }
0x18a: {  	v60 =	vmul.f32 v20, v14;
	v21 =	vadd.f32 v59, v7;
	[tilespmem:s0+$0xFFFFFFC0] =	vst v24  }
0x18b: {  	s30 =	sadd.s32 $0x1, s30;
	v61 =	vmul.f32 v20, v13;
	[tilespmem:s0+$0xFFFFFFD0] =	vst v23  }
0x18c: {  	p0 =	sne.s32 s30, $0x8;
	v62 =	vmul.f32 v20, v12;
	v25 =	vadd.f32 v60, v6;
	[tilespmem:s0+$0xFFFFFFE0] =	vst v21  }
.Ltmp3:
0x18d: {  	v20 =	vmul.f32 v20, v11;
	v22 =	vadd.f32 v61, v4;
	[tilespmem:s3+$0x20] =	vst v57;
	(pc) =	sbr.rel @p0 .LBB2_7-.Ltmp3, $4  }
0x18e: {  	v63 =	vadd.f32 v62, v5;
	[tilespmem:s0+$0xFFFFFFF0] =	vst v25  }
0x18f: {  	v20 =	vadd.f32 v20, v3;
	[tilespmem:s0+$0x0] =	vst v22  }
0x190: {  	[tilespmem:s0+$0x10] =	vst v63  }
0x191: {  	s2 =	sadd.s32 $0x800, s2;
	[tilespmem:s0+$0x20] =	vst v20  }
0x192: {  	_ =	swait.ge [sflag:s16], $0x4000  }
0x193: {  	[sflag:s16] =	ssyncset.done $0x0  }
0x194: {  	s0 =	sadd.s32 s6, s28;
	[sflag:s16] =	ssyncadd.s32 $0xFFFFC000  }
0x195: {  	s2 =	sshll.u32 s0, $0x4;
	_ =	swait.ge [sflag:s16], $0x4000  }
0x196: {  	s28 =	simm.s32 $0x0;
	s2 =	sand.u32 $0x1FFFFF00, s2;
	[sflag:s16] =	ssyncset.done $0x0  }
0x197: {  	s0 =	sshll.u32 s0, $0x5;
	s2 =	sadd.s32 s4, s2;
	[sflag:s16] =	ssyncadd.s32 $0xFFFFC000  }
0x198: {  	[hbm4b:s2+s28] =	stream.linear.scatter [tilespmem:s17], [sflag:$0x4], $0x4000, $0x38;
	[tilespmem:$0x1F780] =	vst v63  }
0x199: {  	s0 =	sadd.s32 s5, s0  }
0x19a: {  	[hbm4b:s0+s28] =	stream.linear.scatter [tilespmem:s31], [sflag:$0x4], $0x8000, $0x38;
	[tilespmem:$0x1F780] =	vst v63  }
0x19b: {  	_ =	swait.ge [sflag:s8], $0x4000  }
0x19c: {  	[sflag:s8] =	ssyncset.done $0x0  }
0x19d: {  	[sflag:s8] =	ssyncadd.s32 $0xFFFFC000  }
0x19e: {  	_ =	swait.ge [sflag:s8], $0x8000  }
0x19f: {  	[sflag:s8] =	ssyncset.done $0x0  }
0x1a0: {  	[sflag:s8] =	ssyncadd.s32 $0xFFFF8000  }
0x1a1: {  	v19 =	vld [tilespmem:s26+$0x100];
	_ =	sdelay $0x4  }
0x1a2: {  	v20 =	vperm.xlane v19, v0;
	_ =	sdelay $0x1  }
0x1a3: {  	v19 =	vperm.xlane v19, v2;
	v20 =	vadd.s32 v1, v20;
	_ =	sdelay $0x1  }
0x1a4: {  	v19 =	vadd.s32 v1, v19;
	_ =	sdelay $0x2  }
0x1a5: {  	[tilespmem:s22], [sflag:$0x1] =	stream.indirect_vreg.gather [hbm4b:s1+s28], $0x80, v20, vm0, $0xb8;
	[tilespmem:$0x1F780] =	vst v63  }
0x1a6: {  	s2 =	simm.s32 $0xBF80  }
0x1a7: {  	[tilespmem:s2], [sflag:$0x1] =	stream.indirect_vreg.gather [hbm4b:s1+s28], $0x80, v19, vm0, $0xb8;
	[tilespmem:$0x1F780] =	vst v63  }
0x1a8: {  	v19 =	vld [tilespmem:s26+$0x110];
	_ =	sdelay $0x4  }
0x1a9: {  	v20 =	vperm.xlane v19, v0;
	_ =	sdelay $0x1  }
0x1aa: {  	v19 =	vperm.xlane v19, v2;
	v20 =	vadd.s32 v1, v20;
	_ =	sdelay $0x1  }
0x1ab: {  	v19 =	vadd.s32 v1, v19;
	_ =	sdelay $0x1  }
0x1ac: {  	s3 =	simm.s32 $0xC780  }
0x1ad: {  	[tilespmem:s3], [sflag:$0x1] =	stream.indirect_vreg.gather [hbm4b:s1+s28], $0x80, v20, vm0, $0xb8;
	[tilespmem:$0x1F780] =	vst v63  }
0x1ae: {  	s2 =	simm.s32 $0xCF80  }
0x1af: {  	[tilespmem:s2], [sflag:$0x1] =	stream.indirect_vreg.gather [hbm4b:s1+s28], $0x80, v19, vm0, $0xb8;
	[tilespmem:$0x1F780] =	vst v63  }
0x1b0: {  	v19 =	vld [tilespmem:s26+$0x120];
	_ =	sdelay $0x4  }
0x1b1: {  	v20 =	vperm.xlane v19, v0;
	_ =	sdelay $0x1  }
0x1b2: {  	v19 =	vperm.xlane v19, v2;
	v20 =	vadd.s32 v1, v20;
	_ =	sdelay $0x1  }
0x1b3: {  	v19 =	vadd.s32 v1, v19;
	_ =	sdelay $0x1  }
0x1b4: {  	s3 =	simm.s32 $0xD780  }
0x1b5: {  	[tilespmem:s3], [sflag:$0x1] =	stream.indirect_vreg.gather [hbm4b:s1+s28], $0x80, v20, vm0, $0xb8;
	[tilespmem:$0x1F780] =	vst v63  }
0x1b6: {  	s2 =	simm.s32 $0xDF80  }
0x1b7: {  	[tilespmem:s2], [sflag:$0x1] =	stream.indirect_vreg.gather [hbm4b:s1+s28], $0x80, v19, vm0, $0xb8;
	[tilespmem:$0x1F780] =	vst v63  }
0x1b8: {  	v19 =	vld [tilespmem:s26+$0x130];
	_ =	sdelay $0x4  }
0x1b9: {  	v20 =	vperm.xlane v19, v0;
	_ =	sdelay $0x1  }
0x1ba: {  	v19 =	vperm.xlane v19, v2;
	v20 =	vadd.s32 v1, v20;
	_ =	sdelay $0x1  }
0x1bb: {  	v19 =	vadd.s32 v1, v19;
	_ =	sdelay $0x1  }
0x1bc: {  	s3 =	simm.s32 $0xE780  }
0x1bd: {  	[tilespmem:s3], [sflag:$0x1] =	stream.indirect_vreg.gather [hbm4b:s1+s28], $0x80, v20, vm0, $0xb8;
	[tilespmem:$0x1F780] =	vst v63  }
0x1be: {  	s2 =	simm.s32 $0xEF80  }
0x1bf: {  	[tilespmem:s2], [sflag:$0x1] =	stream.indirect_vreg.gather [hbm4b:s1+s28], $0x80, v19, vm0, $0xb8;
	[tilespmem:$0x1F780] =	vst v63  }
0x1c0: {  	v19 =	vld [tilespmem:s26+$0x140];
	_ =	sdelay $0x4  }
0x1c1: {  	v20 =	vperm.xlane v19, v0;
	_ =	sdelay $0x1  }
0x1c2: {  	v19 =	vperm.xlane v19, v2;
	v20 =	vadd.s32 v1, v20;
	_ =	sdelay $0x1  }
0x1c3: {  	v19 =	vadd.s32 v1, v19;
	_ =	sdelay $0x1  }
0x1c4: {  	s3 =	simm.s32 $0xF780  }
0x1c5: {  	[tilespmem:s3], [sflag:$0x1] =	stream.indirect_vreg.gather [hbm4b:s1+s28], $0x80, v20, vm0, $0xb8;
	[tilespmem:$0x1F780] =	vst v63  }
0x1c6: {  	s2 =	simm.s32 $0xFF80  }
0x1c7: {  	[tilespmem:s2], [sflag:$0x1] =	stream.indirect_vreg.gather [hbm4b:s1+s28], $0x80, v19, vm0, $0xb8;
	[tilespmem:$0x1F780] =	vst v63  }
0x1c8: {  	v19 =	vld [tilespmem:s26+$0x150];
	_ =	sdelay $0x4  }
0x1c9: {  	v20 =	vperm.xlane v19, v0;
	_ =	sdelay $0x1  }
0x1ca: {  	v19 =	vperm.xlane v19, v2;
	v20 =	vadd.s32 v1, v20;
	_ =	sdelay $0x1  }
0x1cb: {  	v19 =	vadd.s32 v1, v19;
	_ =	sdelay $0x1  }
0x1cc: {  	s3 =	simm.s32 $0x10780  }
0x1cd: {  	[tilespmem:s3], [sflag:$0x1] =	stream.indirect_vreg.gather [hbm4b:s1+s28], $0x80, v20, vm0, $0xb8;
	[tilespmem:$0x1F780] =	vst v63  }
0x1ce: {  	s2 =	simm.s32 $0x10F80  }
0x1cf: {  	[tilespmem:s2], [sflag:$0x1] =	stream.indirect_vreg.gather [hbm4b:s1+s28], $0x80, v19, vm0, $0xb8;
	[tilespmem:$0x1F780] =	vst v63  }
0x1d0: {  	v19 =	vld [tilespmem:s26+$0x160];
	_ =	sdelay $0x4  }
0x1d1: {  	v20 =	vperm.xlane v19, v0;
	_ =	sdelay $0x1  }
0x1d2: {  	v19 =	vperm.xlane v19, v2;
	v20 =	vadd.s32 v1, v20;
	_ =	sdelay $0x1  }
0x1d3: {  	v19 =	vadd.s32 v1, v19;
	_ =	sdelay $0x1  }
0x1d4: {  	s3 =	simm.s32 $0x11780  }
0x1d5: {  	[tilespmem:s3], [sflag:$0x1] =	stream.indirect_vreg.gather [hbm4b:s1+s28], $0x80, v20, vm0, $0xb8;
	[tilespmem:$0x1F780] =	vst v63  }
0x1d6: {  	s2 =	simm.s32 $0x11F80  }
0x1d7: {  	[tilespmem:s2], [sflag:$0x1] =	stream.indirect_vreg.gather [hbm4b:s1+s28], $0x80, v19, vm0, $0xb8;
	[tilespmem:$0x1F780] =	vst v63  }
0x1d8: {  	v19 =	vld [tilespmem:s26+$0x170];
	_ =	sdelay $0x4  }
0x1d9: {  	v20 =	vperm.xlane v19, v0;
	_ =	sdelay $0x1  }
0x1da: {  	v19 =	vperm.xlane v19, v2;
	v20 =	vadd.s32 v1, v20;
	_ =	sdelay $0x1  }
0x1db: {  	v19 =	vadd.s32 v1, v19;
	_ =	sdelay $0x1  }
0x1dc: {  	s3 =	simm.s32 $0x12780  }
0x1dd: {  	[tilespmem:s3], [sflag:$0x1] =	stream.indirect_vreg.gather [hbm4b:s1+s28], $0x80, v20, vm0, $0xb8;
	[tilespmem:$0x1F780] =	vst v63  }
0x1de: {  	s2 =	simm.s32 $0x12F80  }
0x1df: {  	[tilespmem:s2], [sflag:$0x1] =	stream.indirect_vreg.gather [hbm4b:s1+s28], $0x80, v19, vm0, $0xb8;
	[tilespmem:$0x1F780] =	vst v63  }
0x1e0: {  	v19 =	vld [tilespmem:s26+$0x2880];
	_ =	sdelay $0x4  }
0x1e1: {  	v20 =	vperm.xlane v19, v0;
	_ =	sdelay $0x1  }
0x1e2: {  	v19 =	vperm.xlane v19, v2;
	v20 =	vadd.s32 v1, v20;
	_ =	sdelay $0x1  }
0x1e3: {  	v19 =	vadd.s32 v1, v19;
	_ =	sdelay $0x2  }
0x1e4: {  	[tilespmem:s10], [sflag:$0x1] =	stream.indirect_vreg.gather [hbm4b:s1+s28], $0x80, v20, vm0, $0xb8;
	[tilespmem:$0x1F780] =	vst v63  }
0x1e5: {  	_ = 	snop  }
0x1e6: {  	[tilespmem:s11], [sflag:$0x1] =	stream.indirect_vreg.gather [hbm4b:s1+s28], $0x80, v19, vm0, $0xb8;
	[tilespmem:$0x1F780] =	vst v63  }
0x1e7: {  	v19 =	vld [tilespmem:s26+$0x2890];
	_ =	sdelay $0x4  }
0x1e8: {  	v20 =	vperm.xlane v19, v0;
	_ =	sdelay $0x1  }
0x1e9: {  	v19 =	vperm.xlane v19, v2;
	v20 =	vadd.s32 v1, v20;
	_ =	sdelay $0x1  }
0x1ea: {  	v19 =	vadd.s32 v1, v19;
	_ =	sdelay $0x1  }
0x1eb: {  	s3 =	simm.s32 $0xCB80  }
0x1ec: {  	[tilespmem:s3], [sflag:$0x1] =	stream.indirect_vreg.gather [hbm4b:s1+s28], $0x80, v20, vm0, $0xb8;
	[tilespmem:$0x1F780] =	vst v63  }
0x1ed: {  	s2 =	simm.s32 $0xD380  }
0x1ee: {  	[tilespmem:s2], [sflag:$0x1] =	stream.indirect_vreg.gather [hbm4b:s1+s28], $0x80, v19, vm0, $0xb8;
	[tilespmem:$0x1F780] =	vst v63  }
0x1ef: {  	v19 =	vld [tilespmem:s26+$0x28A0];
	_ =	sdelay $0x4  }
0x1f0: {  	v20 =	vperm.xlane v19, v0;
	_ =	sdelay $0x1  }
0x1f1: {  	v19 =	vperm.xlane v19, v2;
	v20 =	vadd.s32 v1, v20;
	_ =	sdelay $0x1  }
0x1f2: {  	v19 =	vadd.s32 v1, v19;
	_ =	sdelay $0x1  }
0x1f3: {  	s3 =	simm.s32 $0xDB80  }
0x1f4: {  	[tilespmem:s3], [sflag:$0x1] =	stream.indirect_vreg.gather [hbm4b:s1+s28], $0x80, v20, vm0, $0xb8;
	[tilespmem:$0x1F780] =	vst v63  }
0x1f5: {  	s2 =	simm.s32 $0xE380  }
0x1f6: {  	[tilespmem:s2], [sflag:$0x1] =	stream.indirect_vreg.gather [hbm4b:s1+s28], $0x80, v19, vm0, $0xb8;
	[tilespmem:$0x1F780] =	vst v63  }
0x1f7: {  	v19 =	vld [tilespmem:s26+$0x28B0];
	_ =	sdelay $0x4  }
0x1f8: {  	v20 =	vperm.xlane v19, v0;
	_ =	sdelay $0x1  }
0x1f9: {  	v19 =	vperm.xlane v19, v2;
	v20 =	vadd.s32 v1, v20;
	_ =	sdelay $0x1  }
0x1fa: {  	v19 =	vadd.s32 v1, v19;
	_ =	sdelay $0x1  }
0x1fb: {  	s3 =	simm.s32 $0xEB80  }
0x1fc: {  	[tilespmem:s3], [sflag:$0x1] =	stream.indirect_vreg.gather [hbm4b:s1+s28], $0x80, v20, vm0, $0xb8;
	[tilespmem:$0x1F780] =	vst v63  }
0x1fd: {  	s2 =	simm.s32 $0xF380  }
0x1fe: {  	[tilespmem:s2], [sflag:$0x1] =	stream.indirect_vreg.gather [hbm4b:s1+s28], $0x80, v19, vm0, $0xb8;
	[tilespmem:$0x1F780] =	vst v63  }
0x1ff: {  	v19 =	vld [tilespmem:s26+$0x28C0];
	_ =	sdelay $0x4  }
0x200: {  	v20 =	vperm.xlane v19, v0;
	_ =	sdelay $0x1  }
0x201: {  	v19 =	vperm.xlane v19, v2;
	v20 =	vadd.s32 v1, v20;
	_ =	sdelay $0x1  }
0x202: {  	v19 =	vadd.s32 v1, v19;
	_ =	sdelay $0x1  }
0x203: {  	s3 =	simm.s32 $0xFB80  }
0x204: {  	[tilespmem:s3], [sflag:$0x1] =	stream.indirect_vreg.gather [hbm4b:s1+s28], $0x80, v20, vm0, $0xb8;
	[tilespmem:$0x1F780] =	vst v63  }
0x205: {  	s2 =	simm.s32 $0x10380  }
0x206: {  	[tilespmem:s2], [sflag:$0x1] =	stream.indirect_vreg.gather [hbm4b:s1+s28], $0x80, v19, vm0, $0xb8;
	[tilespmem:$0x1F780] =	vst v63  }
0x207: {  	v19 =	vld [tilespmem:s26+$0x28D0];
	_ =	sdelay $0x4  }
0x208: {  	v20 =	vperm.xlane v19, v0;
	_ =	sdelay $0x1  }
0x209: {  	v19 =	vperm.xlane v19, v2;
	v20 =	vadd.s32 v1, v20;
	_ =	sdelay $0x1  }
0x20a: {  	v19 =	vadd.s32 v1, v19;
	_ =	sdelay $0x1  }
0x20b: {  	s3 =	simm.s32 $0x10B80  }
0x20c: {  	[tilespmem:s3], [sflag:$0x1] =	stream.indirect_vreg.gather [hbm4b:s1+s28], $0x80, v20, vm0, $0xb8;
	[tilespmem:$0x1F780] =	vst v63  }
0x20d: {  	s2 =	simm.s32 $0x11380  }
0x20e: {  	[tilespmem:s2], [sflag:$0x1] =	stream.indirect_vreg.gather [hbm4b:s1+s28], $0x80, v19, vm0, $0xb8;
	[tilespmem:$0x1F780] =	vst v63  }
0x20f: {  	v19 =	vld [tilespmem:s26+$0x28E0];
	_ =	sdelay $0x4  }
0x210: {  	v20 =	vperm.xlane v19, v0;
	_ =	sdelay $0x1  }
0x211: {  	v19 =	vperm.xlane v19, v2;
	v20 =	vadd.s32 v1, v20;
	_ =	sdelay $0x1  }
0x212: {  	v19 =	vadd.s32 v1, v19;
	_ =	sdelay $0x1  }
0x213: {  	s3 =	simm.s32 $0x11B80  }
0x214: {  	[tilespmem:s3], [sflag:$0x1] =	stream.indirect_vreg.gather [hbm4b:s1+s28], $0x80, v20, vm0, $0xb8;
	[tilespmem:$0x1F780] =	vst v63  }
0x215: {  	s2 =	simm.s32 $0x12380  }
0x216: {  	[tilespmem:s2], [sflag:$0x1] =	stream.indirect_vreg.gather [hbm4b:s1+s28], $0x80, v19, vm0, $0xb8;
	[tilespmem:$0x1F780] =	vst v63  }
0x217: {  	v19 =	vld [tilespmem:s26+$0x28F0];
	_ =	sdelay $0x4  }
0x218: {  	v20 =	vperm.xlane v19, v0;
	_ =	sdelay $0x1  }
0x219: {  	v19 =	vperm.xlane v19, v2;
	v20 =	vadd.s32 v1, v20;
	_ =	sdelay $0x1  }
0x21a: {  	v19 =	vadd.s32 v1, v19;
	_ =	sdelay $0x1  }
0x21b: {  	s29 =	simm.s32 $0x77C0;
	s3 =	simm.s32 $0x12B80  }
0x21c: {  	[tilespmem:s3], [sflag:$0x1] =	stream.indirect_vreg.gather [hbm4b:s1+s28], $0x80, v20, vm0, $0xb8;
	[tilespmem:$0x1F780] =	vst v63  }
0x21d: {  	s30 =	simm.s32 $0x0;
	s2 =	simm.s32 $0x13380;
	s3 =	sadd.s32 $0x5000, s26  }
0x21e: {  	[tilespmem:s2], [sflag:$0x1] =	stream.indirect_vreg.gather [hbm4b:s1+s28], $0x80, v19, vm0, $0xb8;
	v19 =	vmov s3;
	[tilespmem:$0x1F780] =	vst v63  }
.LBB2_11:
0x21f: {  	_ =	sdelay $0x2  }
0x220: {  	s0 =	sshll.u32 s30, $0x4  }
0x221: {  	v20 =	vld.idx.msk [tilespmem:v19+s0+$0x0 ss:$0x1], $0xffff;
	_ =	sdelay $0x3  }
0x222: {  	v21 =	vmov s28  }
0x223: {  	v21 =	vperm.xlane v20, v21;
	_ =	sdelay $0x1  }
0x224: {  	v21 =	vcvt.s32.f32 v21;
	_ =	sdelay $0x1  }
0x225: {  	s2 =	simm.s32 $0x1;
	v22 =	vmul.f32 v21, v18  }
0x226: {  	v25 =	vmov s2;
	v23 =	vmul.f32 v21, v17  }
0x227: {  	v25 =	vperm.xlane v20, v25;
	v24 =	vmul.f32 v21, v16;
	v22 =	vadd.f32 v22, v10  }
0x228: {  	v26 =	vmul.f32 v21, v15;
	v23 =	vadd.f32 v23, v9  }
0x229: {  	s3 =	simm.s32 $0x2;
	v31 =	vcvt.s32.f32 v25;
	v28 =	vmul.f32 v21, v13;
	v24 =	vadd.f32 v24, v8;
	[tilespmem:s29+$0x30] =	vst v22  }
0x22a: {  	v30 =	vmov s3;
	v27 =	vmul.f32 v21, v14;
	v26 =	vadd.f32 v26, v7;
	[tilespmem:s29+$0xFFFFFFC0] =	vst v23  }
0x22b: {  	v29 =	vmul.f32 v31, v18;
	v28 =	vadd.f32 v28, v4;
	v22 =	vmul.f32 v21, v12;
	[tilespmem:s29+$0xFFFFFFD0] =	vst v24  }
0x22c: {  	v25 =	vmul.f32 v31, v15;
	v21 =	vmul.f32 v21, v11;
	v23 =	vadd.f32 v27, v6;
	[tilespmem:s29+$0xFFFFFFE0] =	vst v26  }
0x22d: {  	v24 =	vmul.f32 v31, v17;
	v27 =	vmul.f32 v31, v16;
	[tilespmem:s29+$0x0] =	vst v28;
	v32 =	vadd.f32 v22, v5  }
0x22e: {  	v29 =	vadd.f32 v29, v10;
	v26 =	vmul.f32 v31, v14;
	v28 =	vmul.f32 v31, v12;
	[tilespmem:s29+$0xFFFFFFF0] =	vst v23  }
0x22f: {  	s0 =	simm.s32 $0x3;
	s3 =	sadd.s32 $0x80, s29;
	s2 =	smov.u32 s29;
	v21 =	vadd.f32 v21, v3;
	v22 =	vmul.f32 v31, v13;
	v23 =	vmul.f32 v31, v11;
	[tilespmem:s29+$0x10] =	vst v32  }
.LBB2_12:
0x230: {  	p0 =	sne.s32 s0, $0xF;
	v30 =	vperm.xlane v20, v30;
	v24 =	vadd.f32 v24, v9;
	v27 =	vadd.f32 v27, v8;
	[tilespmem:s3+$0x30] =	vst v29  }
0x231: {  	v25 =	vadd.f32 v25, v7;
	v26 =	vadd.f32 v26, v6;
	[tilespmem:s2+$0x20] =	vst v21;
	s2 =	smov.u32 s3  }
0x232: {  	v32 =	vadd.f32 v28, v5;
	v31 =	vcvt.s32.f32 v30;
	[tilespmem:s3+$0xFFFFFFC0] =	vst v24;
	v30 =	vadd.f32 v22, v4  }
.Ltmp4:
0x233: {  	v21 =	vadd.f32 v23, v3;
	[tilespmem:s3+$0xFFFFFFD0] =	vst v27;
	(pc) =	sbr.rel @p0 .LBB2_12-.Ltmp4, $4  }
0x234: {  	v24 =	vmul.f32 v31, v17;
	v23 =	vmul.f32 v31, v18;
	[tilespmem:s3+$0xFFFFFFE0] =	vst v25  }
0x235: {  	v27 =	vmul.f32 v31, v16;
	v25 =	vmul.f32 v31, v15;
	[tilespmem:s3+$0xFFFFFFF0] =	vst v26  }
0x236: {  	v22 =	vmul.f32 v31, v13;
	v26 =	vmul.f32 v31, v14;
	v29 =	vadd.f32 v23, v10;
	[tilespmem:s3+$0x0] =	vst v30  }
0x237: {  	v28 =	vmul.f32 v31, v12;
	v30 =	vmov s0;
	s0 =	sadd.s32 $0x1, s0;
	v23 =	vmul.f32 v31, v11;
	s3 =	sadd.s32 $0x80, s3;
	[tilespmem:s2+$0x10] =	vst v32  }
0x238: {  	v20 =	vperm.xlane v20, v30;
	v24 =	vadd.f32 v24, v9;
	[tilespmem:s3+$0x30] =	vst v29  }
0x239: {  	v27 =	vadd.f32 v27, v8;
	[tilespmem:s2+$0x20] =	vst v21  }
0x23a: {  	v52 =	vadd.f32 v25, v7;
	v20 =	vcvt.s32.f32 v20;
	[tilespmem:s3+$0xFFFFFFC0] =	vst v24  }
0x23b: {  	v53 =	vadd.f32 v26, v6;
	[tilespmem:s3+$0xFFFFFFD0] =	vst v27  }
0x23c: {  	v22 =	vadd.f32 v22, v4;
	[tilespmem:s3+$0xFFFFFFE0] =	vst v52;
	v54 =	vmul.f32 v20, v18  }
0x23d: {  	v55 =	vadd.f32 v28, v5;
	[tilespmem:s3+$0xFFFFFFF0] =	vst v53;
	v56 =	vmul.f32 v20, v17  }
0x23e: {  	[tilespmem:s3+$0x0] =	vst v22;
	v58 =	vmul.f32 v20, v16;
	v25 =	vadd.f32 v54, v10  }
0x23f: {  	s0 =	sadd.s32 $0x80, s3;
	[tilespmem:s3+$0x10] =	vst v55;
	v59 =	vmul.f32 v20, v15;
	v24 =	vadd.f32 v56, v9  }
0x240: {  	v57 =	vadd.f32 v23, v3;
	v23 =	vadd.f32 v58, v8;
	[tilespmem:s0+$0x30] =	vst v25  }
0x241: {  	v60 =	vmul.f32 v20, v14;
	v21 =	vadd.f32 v59, v7;
	[tilespmem:s0+$0xFFFFFFC0] =	vst v24  }
0x242: {  	s30 =	sadd.s32 $0x1, s30;
	v61 =	vmul.f32 v20, v13;
	[tilespmem:s0+$0xFFFFFFD0] =	vst v23  }
0x243: {  	p0 =	sne.s32 s30, $0x8;
	v62 =	vmul.f32 v20, v12;
	v25 =	vadd.f32 v60, v6;
	[tilespmem:s0+$0xFFFFFFE0] =	vst v21  }
.Ltmp5:
0x244: {  	v20 =	vmul.f32 v20, v11;
	v22 =	vadd.f32 v61, v4;
	[tilespmem:s3+$0x20] =	vst v57;
	(pc) =	sbr.rel @p0 .LBB2_11-.Ltmp5, $4  }
0x245: {  	v63 =	vadd.f32 v62, v5;
	[tilespmem:s0+$0xFFFFFFF0] =	vst v25  }
0x246: {  	v20 =	vadd.f32 v20, v3;
	[tilespmem:s0+$0x0] =	vst v22  }
0x247: {  	[tilespmem:s0+$0x10] =	vst v63  }
0x248: {  	s29 =	sadd.s32 $0x800, s29;
	[tilespmem:s0+$0x20] =	vst v20  }
0x249: {  	_ =	swait.ge [sflag:s18], $0x4000  }
0x24a: {  	[sflag:s18] =	ssyncset.done $0x0  }
0x24b: {  	[sflag:s18] =	ssyncadd.s32 $0xFFFFC000  }
0x24c: {  	_ =	swait.ge [sflag:s18], $0x8000  }
0x24d: {  	[sflag:s18] =	ssyncset.done $0x0  }
0x24e: {  	[sflag:s18] =	ssyncadd.s32 $0xFFFF8000  }
0x24f: {  	v19 =	vld [tilespmem:s26+$0x180];
	_ =	sdelay $0x4  }
0x250: {  	v20 =	vperm.xlane v19, v0;
	_ =	sdelay $0x1  }
0x251: {  	v19 =	vperm.xlane v19, v2;
	v20 =	vadd.s32 v1, v20;
	_ =	sdelay $0x1  }
0x252: {  	v19 =	vadd.s32 v1, v19;
	_ =	sdelay $0x2  }
0x253: {  	[tilespmem:s31], [sflag:$0x2] =	stream.indirect_vreg.gather [hbm4b:s1+s7], $0x80, v20, vm0, $0xb8;
	[tilespmem:$0x1F780] =	vst v63  }
0x254: {  	s0 =	simm.s32 $0x17F80  }
0x255: {  	[tilespmem:s0], [sflag:$0x2] =	stream.indirect_vreg.gather [hbm4b:s1+s7], $0x80, v19, vm0, $0xb8;
	[tilespmem:$0x1F780] =	vst v63  }
0x256: {  	v19 =	vld [tilespmem:s26+$0x190];
	_ =	sdelay $0x4  }
0x257: {  	v20 =	vperm.xlane v19, v0;
	_ =	sdelay $0x1  }
0x258: {  	v19 =	vperm.xlane v19, v2;
	v20 =	vadd.s32 v1, v20;
	_ =	sdelay $0x1  }
0x259: {  	v19 =	vadd.s32 v1, v19;
	_ =	sdelay $0x1  }
0x25a: {  	s28 =	simm.s32 $0x18780  }
0x25b: {  	[tilespmem:s28], [sflag:$0x2] =	stream.indirect_vreg.gather [hbm4b:s1+s7], $0x80, v20, vm0, $0xb8;
	[tilespmem:$0x1F780] =	vst v63  }
0x25c: {  	s29 =	simm.s32 $0x18F80  }
0x25d: {  	[tilespmem:s29], [sflag:$0x2] =	stream.indirect_vreg.gather [hbm4b:s1+s7], $0x80, v19, vm0, $0xb8;
	[tilespmem:$0x1F780] =	vst v63  }
0x25e: {  	v19 =	vld [tilespmem:s26+$0x1A0];
	_ =	sdelay $0x4  }
0x25f: {  	v20 =	vperm.xlane v19, v0;
	_ =	sdelay $0x1  }
0x260: {  	v19 =	vperm.xlane v19, v2;
	v20 =	vadd.s32 v1, v20;
	_ =	sdelay $0x1  }
0x261: {  	v19 =	vadd.s32 v1, v19;
	_ =	sdelay $0x1  }
0x262: {  	s30 =	simm.s32 $0x19780  }
0x263: {  	[tilespmem:s30], [sflag:$0x2] =	stream.indirect_vreg.gather [hbm4b:s1+s7], $0x80, v20, vm0, $0xb8;
	[tilespmem:$0x1F780] =	vst v63  }
0x264: {  	s2 =	simm.s32 $0x19F80  }
0x265: {  	[tilespmem:s2], [sflag:$0x2] =	stream.indirect_vreg.gather [hbm4b:s1+s7], $0x80, v19, vm0, $0xb8;
	[tilespmem:$0x1F780] =	vst v63  }
0x266: {  	v19 =	vld [tilespmem:s26+$0x1B0];
	_ =	sdelay $0x4  }
0x267: {  	v20 =	vperm.xlane v19, v0;
	_ =	sdelay $0x1  }
0x268: {  	v19 =	vperm.xlane v19, v2;
	v20 =	vadd.s32 v1, v20;
	_ =	sdelay $0x1  }
0x269: {  	v19 =	vadd.s32 v1, v19;
	_ =	sdelay $0x1  }
0x26a: {  	s3 =	simm.s32 $0x1A780  }
0x26b: {  	[tilespmem:s3], [sflag:$0x2] =	stream.indirect_vreg.gather [hbm4b:s1+s7], $0x80, v20, vm0, $0xb8;
	[tilespmem:$0x1F780] =	vst v63  }
0x26c: {  	s28 =	simm.s32 $0x1AF80  }
0x26d: {  	[tilespmem:s28], [sflag:$0x2] =	stream.indirect_vreg.gather [hbm4b:s1+s7], $0x80, v19, vm0, $0xb8;
	[tilespmem:$0x1F780] =	vst v63  }
0x26e: {  	v19 =	vld [tilespmem:s26+$0x1C0];
	_ =	sdelay $0x4  }
0x26f: {  	v20 =	vperm.xlane v19, v0;
	_ =	sdelay $0x1  }
0x270: {  	v19 =	vperm.xlane v19, v2;
	v20 =	vadd.s32 v1, v20;
	_ =	sdelay $0x1  }
0x271: {  	v19 =	vadd.s32 v1, v19;
	_ =	sdelay $0x1  }
0x272: {  	s29 =	simm.s32 $0x1B780  }
0x273: {  	[tilespmem:s29], [sflag:$0x2] =	stream.indirect_vreg.gather [hbm4b:s1+s7], $0x80, v20, vm0, $0xb8;
	[tilespmem:$0x1F780] =	vst v63  }
0x274: {  	s30 =	simm.s32 $0x1BF80  }
0x275: {  	[tilespmem:s30], [sflag:$0x2] =	stream.indirect_vreg.gather [hbm4b:s1+s7], $0x80, v19, vm0, $0xb8;
	[tilespmem:$0x1F780] =	vst v63  }
0x276: {  	v19 =	vld [tilespmem:s26+$0x1D0];
	_ =	sdelay $0x4  }
0x277: {  	v20 =	vperm.xlane v19, v0;
	_ =	sdelay $0x1  }
0x278: {  	v19 =	vperm.xlane v19, v2;
	v20 =	vadd.s32 v1, v20;
	_ =	sdelay $0x1  }
0x279: {  	v19 =	vadd.s32 v1, v19;
	_ =	sdelay $0x1  }
0x27a: {  	s2 =	simm.s32 $0x1C780  }
0x27b: {  	[tilespmem:s2], [sflag:$0x2] =	stream.indirect_vreg.gather [hbm4b:s1+s7], $0x80, v20, vm0, $0xb8;
	[tilespmem:$0x1F780] =	vst v63  }
0x27c: {  	s3 =	simm.s32 $0x1CF80  }
0x27d: {  	[tilespmem:s3], [sflag:$0x2] =	stream.indirect_vreg.gather [hbm4b:s1+s7], $0x80, v19, vm0, $0xb8;
	[tilespmem:$0x1F780] =	vst v63  }
0x27e: {  	v19 =	vld [tilespmem:s26+$0x1E0];
	_ =	sdelay $0x4  }
0x27f: {  	v20 =	vperm.xlane v19, v0;
	_ =	sdelay $0x1  }
0x280: {  	v19 =	vperm.xlane v19, v2;
	v20 =	vadd.s32 v1, v20;
	_ =	sdelay $0x1  }
0x281: {  	v19 =	vadd.s32 v1, v19;
	_ =	sdelay $0x1  }
0x282: {  	s28 =	simm.s32 $0x1D780  }
0x283: {  	[tilespmem:s28], [sflag:$0x2] =	stream.indirect_vreg.gather [hbm4b:s1+s7], $0x80, v20, vm0, $0xb8;
	[tilespmem:$0x1F780] =	vst v63  }
0x284: {  	s29 =	simm.s32 $0x1DF80  }
0x285: {  	[tilespmem:s29], [sflag:$0x2] =	stream.indirect_vreg.gather [hbm4b:s1+s7], $0x80, v19, vm0, $0xb8;
	[tilespmem:$0x1F780] =	vst v63  }
0x286: {  	v19 =	vld [tilespmem:s26+$0x1F0];
	_ =	sdelay $0x4  }
0x287: {  	v20 =	vperm.xlane v19, v0;
	_ =	sdelay $0x1  }
0x288: {  	v19 =	vperm.xlane v19, v2;
	v20 =	vadd.s32 v1, v20;
	_ =	sdelay $0x1  }
0x289: {  	v19 =	vadd.s32 v1, v19;
	_ =	sdelay $0x1  }
0x28a: {  	s30 =	simm.s32 $0x1E780  }
0x28b: {  	[tilespmem:s30], [sflag:$0x2] =	stream.indirect_vreg.gather [hbm4b:s1+s7], $0x80, v20, vm0, $0xb8;
	[tilespmem:$0x1F780] =	vst v63  }
0x28c: {  	s2 =	simm.s32 $0x1EF80  }
0x28d: {  	[tilespmem:s2], [sflag:$0x2] =	stream.indirect_vreg.gather [hbm4b:s1+s7], $0x80, v19, vm0, $0xb8;
	[tilespmem:$0x1F780] =	vst v63  }
0x28e: {  	v19 =	vld [tilespmem:s26+$0x2900];
	_ =	sdelay $0x4  }
0x28f: {  	v20 =	vperm.xlane v19, v0;
	_ =	sdelay $0x1  }
0x290: {  	v19 =	vperm.xlane v19, v2;
	v20 =	vadd.s32 v1, v20;
	_ =	sdelay $0x1  }
0x291: {  	v19 =	vadd.s32 v1, v19;
	_ =	sdelay $0x1  }
0x292: {  	s3 =	simm.s32 $0x17B80  }
0x293: {  	[tilespmem:s3], [sflag:$0x2] =	stream.indirect_vreg.gather [hbm4b:s1+s7], $0x80, v20, vm0, $0xb8;
	[tilespmem:$0x1F780] =	vst v63  }
0x294: {  	s28 =	simm.s32 $0x18380  }
0x295: {  	[tilespmem:s28], [sflag:$0x2] =	stream.indirect_vreg.gather [hbm4b:s1+s7], $0x80, v19, vm0, $0xb8;
	[tilespmem:$0x1F780] =	vst v63  }
0x296: {  	v19 =	vld [tilespmem:s26+$0x2910];
	_ =	sdelay $0x4  }
0x297: {  	v20 =	vperm.xlane v19, v0;
	_ =	sdelay $0x1  }
0x298: {  	v19 =	vperm.xlane v19, v2;
	v20 =	vadd.s32 v1, v20;
	_ =	sdelay $0x1  }
0x299: {  	v19 =	vadd.s32 v1, v19;
	_ =	sdelay $0x1  }
0x29a: {  	s29 =	simm.s32 $0x18B80  }
0x29b: {  	[tilespmem:s29], [sflag:$0x2] =	stream.indirect_vreg.gather [hbm4b:s1+s7], $0x80, v20, vm0, $0xb8;
	[tilespmem:$0x1F780] =	vst v63  }
0x29c: {  	s30 =	simm.s32 $0x19380  }
0x29d: {  	[tilespmem:s30], [sflag:$0x2] =	stream.indirect_vreg.gather [hbm4b:s1+s7], $0x80, v19, vm0, $0xb8;
	[tilespmem:$0x1F780] =	vst v63  }
0x29e: {  	v19 =	vld [tilespmem:s26+$0x2920];
	_ =	sdelay $0x4  }
0x29f: {  	v20 =	vperm.xlane v19, v0;
	_ =	sdelay $0x1  }
0x2a0: {  	v19 =	vperm.xlane v19, v2;
	v20 =	vadd.s32 v1, v20;
	_ =	sdelay $0x1  }
0x2a1: {  	v19 =	vadd.s32 v1, v19;
	_ =	sdelay $0x1  }
0x2a2: {  	s2 =	simm.s32 $0x19B80  }
0x2a3: {  	[tilespmem:s2], [sflag:$0x2] =	stream.indirect_vreg.gather [hbm4b:s1+s7], $0x80, v20, vm0, $0xb8;
	[tilespmem:$0x1F780] =	vst v63  }
0x2a4: {  	s3 =	simm.s32 $0x1A380  }
0x2a5: {  	[tilespmem:s3], [sflag:$0x2] =	stream.indirect_vreg.gather [hbm4b:s1+s7], $0x80, v19, vm0, $0xb8;
	[tilespmem:$0x1F780] =	vst v63  }
0x2a6: {  	v19 =	vld [tilespmem:s26+$0x2930];
	_ =	sdelay $0x4  }
0x2a7: {  	v20 =	vperm.xlane v19, v0;
	_ =	sdelay $0x1  }
0x2a8: {  	v19 =	vperm.xlane v19, v2;
	v20 =	vadd.s32 v1, v20;
	_ =	sdelay $0x1  }
0x2a9: {  	v19 =	vadd.s32 v1, v19;
	_ =	sdelay $0x1  }
0x2aa: {  	s28 =	simm.s32 $0x1AB80  }
0x2ab: {  	[tilespmem:s28], [sflag:$0x2] =	stream.indirect_vreg.gather [hbm4b:s1+s7], $0x80, v20, vm0, $0xb8;
	[tilespmem:$0x1F780] =	vst v63  }
0x2ac: {  	s29 =	simm.s32 $0x1B380  }
0x2ad: {  	[tilespmem:s29], [sflag:$0x2] =	stream.indirect_vreg.gather [hbm4b:s1+s7], $0x80, v19, vm0, $0xb8;
	[tilespmem:$0x1F780] =	vst v63  }
0x2ae: {  	v19 =	vld [tilespmem:s26+$0x2940];
	_ =	sdelay $0x4  }
0x2af: {  	v20 =	vperm.xlane v19, v0;
	_ =	sdelay $0x1  }
0x2b0: {  	v19 =	vperm.xlane v19, v2;
	v20 =	vadd.s32 v1, v20;
	_ =	sdelay $0x1  }
0x2b1: {  	v19 =	vadd.s32 v1, v19;
	_ =	sdelay $0x1  }
0x2b2: {  	s30 =	simm.s32 $0x1BB80  }
0x2b3: {  	[tilespmem:s30], [sflag:$0x2] =	stream.indirect_vreg.gather [hbm4b:s1+s7], $0x80, v20, vm0, $0xb8;
	[tilespmem:$0x1F780] =	vst v63  }
0x2b4: {  	_ = 	snop  }
0x2b5: {  	[tilespmem:s19], [sflag:$0x2] =	stream.indirect_vreg.gather [hbm4b:s1+s7], $0x80, v19, vm0, $0xb8;
	[tilespmem:$0x1F780] =	vst v63  }
0x2b6: {  	v19 =	vld [tilespmem:s26+$0x2950];
	_ =	sdelay $0x4  }
0x2b7: {  	v20 =	vperm.xlane v19, v0;
	_ =	sdelay $0x1  }
0x2b8: {  	v19 =	vperm.xlane v19, v2;
	v20 =	vadd.s32 v1, v20;
	_ =	sdelay $0x1  }
0x2b9: {  	v19 =	vadd.s32 v1, v19;
	_ =	sdelay $0x2  }
0x2ba: {  	[tilespmem:s20], [sflag:$0x2] =	stream.indirect_vreg.gather [hbm4b:s1+s7], $0x80, v20, vm0, $0xb8;
	[tilespmem:$0x1F780] =	vst v63  }
0x2bb: {  	_ = 	snop  }
0x2bc: {  	[tilespmem:s21], [sflag:$0x2] =	stream.indirect_vreg.gather [hbm4b:s1+s7], $0x80, v19, vm0, $0xb8;
	[tilespmem:$0x1F780] =	vst v63  }
0x2bd: {  	v19 =	vld [tilespmem:s26+$0x2960];
	_ =	sdelay $0x4  }
0x2be: {  	v20 =	vperm.xlane v19, v0;
	_ =	sdelay $0x1  }
0x2bf: {  	v19 =	vperm.xlane v19, v2;
	v20 =	vadd.s32 v1, v20;
	_ =	sdelay $0x1  }
0x2c0: {  	v19 =	vadd.s32 v1, v19;
	_ =	sdelay $0x2  }
0x2c1: {  	[tilespmem:s9], [sflag:$0x2] =	stream.indirect_vreg.gather [hbm4b:s1+s7], $0x80, v20, vm0, $0xb8;
	[tilespmem:$0x1F780] =	vst v63  }
0x2c2: {  	_ = 	snop  }
0x2c3: {  	[tilespmem:s12], [sflag:$0x2] =	stream.indirect_vreg.gather [hbm4b:s1+s7], $0x80, v19, vm0, $0xb8;
	[tilespmem:$0x1F780] =	vst v63  }
0x2c4: {  	v19 =	vld [tilespmem:s26+$0x2970];
	_ =	sdelay $0x4  }
0x2c5: {  	v20 =	vperm.xlane v19, v0;
	_ =	sdelay $0x1  }
0x2c6: {  	v19 =	vperm.xlane v19, v2;
	v20 =	vadd.s32 v1, v20  }
0x2c7: {  	s25 =	sadd.s32 $0x1, s25  }
0x2c8: {  	p0 =	sne.s32 s25, $0x26;
	v19 =	vadd.s32 v1, v19  }
.Ltmp6:
0x2c9: {  	_ = 	snop;
	(pc) =	sbr.rel @p0 .LBB2_6-.Ltmp6, $4  }
0x2ca: {  	_ = 	snop  }
0x2cb: {  	[tilespmem:s13], [sflag:$0x2] =	stream.indirect_vreg.gather [hbm4b:s1+s7], $0x80, v20, vm0, $0xb8;
	[tilespmem:$0x1F780] =	vst v63  }
0x2cc: {  	_ = 	snop  }
0x2cd: {  	[tilespmem:s14], [sflag:$0x2] =	stream.indirect_vreg.gather [hbm4b:s1+s7], $0x80, v19, vm0, $0xb8;
	[tilespmem:$0x1F780] =	vst v63  }
0x2ce: {  	_ =	swait.ge [sflag:s23], $0x4000  }
0x2cf: {  	[sflag:s23] =	ssyncset.done $0x0  }
0x2d0: {  	[sflag:s23] =	ssyncadd.s32 $0xFFFFC000  }
0x2d1: {  	_ =	swait.ge [sflag:s23], $0x4000  }
0x2d2: {  	[sflag:s23] =	ssyncset.done $0x0  }
0x2d3: {  	s24 =	simm.s32 $0x0;
	s0 =	rddreg [dreg:$0xa];
	[sflag:s23] =	ssyncadd.s32 $0xFFFFC000  }
0x2d4: {  	[hbm4b:s0+s24] =	stream.linear.scatter [tilespmem:s15], [sflag:$0x3], $0x4000, $0x38;
	[tilespmem:$0x1F780] =	vst v63  }
0x2d5: {  	s25 =	simm.s32 $0x137C0;
	s26 =	simm.s32 $0x0;
	s30 =	rddreg [dreg:$0xb]  }
0x2d6: {  	[hbm4b:s30+s24] =	stream.linear.scatter [tilespmem:s22], [sflag:$0x3], $0x8000, $0x38;
	[tilespmem:$0x1F780] =	vst v63  }
.LBB2_16:
0x2d7: {  	s0 =	sshll.u32 s26, $0x4  }
0x2d8: {  	v19 =	vld [tilespmem:s0+$0x7580];
	_ =	sdelay $0x3  }
0x2d9: {  	v20 =	vmov s24  }
0x2da: {  	v20 =	vperm.xlane v19, v20;
	_ =	sdelay $0x1  }
0x2db: {  	v20 =	vcvt.s32.f32 v20;
	_ =	sdelay $0x1  }
0x2dc: {  	s29 =	simm.s32 $0x1;
	v21 =	vmul.f32 v20, v18  }
0x2dd: {  	v24 =	vmov s29;
	v22 =	vmul.f32 v20, v17  }
0x2de: {  	v24 =	vperm.xlane v19, v24;
	v23 =	vmul.f32 v20, v16;
	v21 =	vadd.f32 v21, v10  }
0x2df: {  	v25 =	vmul.f32 v20, v15;
	v22 =	vadd.f32 v22, v9  }
0x2e0: {  	s30 =	simm.s32 $0x2;
	v30 =	vcvt.s32.f32 v24;
	v27 =	vmul.f32 v20, v13;
	v23 =	vadd.f32 v23, v8;
	[tilespmem:s25+$0x30] =	vst v21  }
0x2e1: {  	v29 =	vmov s30;
	v26 =	vmul.f32 v20, v14;
	v25 =	vadd.f32 v25, v7;
	[tilespmem:s25+$0xFFFFFFC0] =	vst v22  }
0x2e2: {  	v28 =	vmul.f32 v30, v18;
	v27 =	vadd.f32 v27, v4;
	v21 =	vmul.f32 v20, v12;
	[tilespmem:s25+$0xFFFFFFD0] =	vst v23  }
0x2e3: {  	v24 =	vmul.f32 v30, v15;
	v20 =	vmul.f32 v20, v11;
	v22 =	vadd.f32 v26, v6;
	[tilespmem:s25+$0xFFFFFFE0] =	vst v25  }
0x2e4: {  	v23 =	vmul.f32 v30, v17;
	v26 =	vmul.f32 v30, v16;
	[tilespmem:s25+$0x0] =	vst v27;
	v31 =	vadd.f32 v21, v5  }
0x2e5: {  	v28 =	vadd.f32 v28, v10;
	v25 =	vmul.f32 v30, v14;
	v27 =	vmul.f32 v30, v12;
	[tilespmem:s25+$0xFFFFFFF0] =	vst v22  }
0x2e6: {  	s3 =	sadd.s32 $0x80, s25;
	s2 =	smov.u32 s25;
	s0 =	simm.s32 $0x3;
	v20 =	vadd.f32 v20, v3;
	v21 =	vmul.f32 v30, v13;
	v22 =	vmul.f32 v30, v11;
	[tilespmem:s25+$0x10] =	vst v31  }
.LBB2_17:
0x2e7: {  	p0 =	sne.s32 s0, $0xF;
	v29 =	vperm.xlane v19, v29;
	v23 =	vadd.f32 v23, v9;
	v26 =	vadd.f32 v26, v8;
	[tilespmem:s3+$0x30] =	vst v28  }
0x2e8: {  	v24 =	vadd.f32 v24, v7;
	v25 =	vadd.f32 v25, v6;
	[tilespmem:s2+$0x20] =	vst v20;
	s2 =	smov.u32 s3  }
0x2e9: {  	v31 =	vadd.f32 v27, v5;
	v30 =	vcvt.s32.f32 v29;
	[tilespmem:s3+$0xFFFFFFC0] =	vst v23;
	v29 =	vadd.f32 v21, v4  }
.Ltmp7:
0x2ea: {  	v20 =	vadd.f32 v22, v3;
	[tilespmem:s3+$0xFFFFFFD0] =	vst v26;
	(pc) =	sbr.rel @p0 .LBB2_17-.Ltmp7, $4  }
0x2eb: {  	v23 =	vmul.f32 v30, v17;
	v22 =	vmul.f32 v30, v18;
	[tilespmem:s3+$0xFFFFFFE0] =	vst v24  }
0x2ec: {  	v26 =	vmul.f32 v30, v16;
	v24 =	vmul.f32 v30, v15;
	[tilespmem:s3+$0xFFFFFFF0] =	vst v25  }
0x2ed: {  	v21 =	vmul.f32 v30, v13;
	v25 =	vmul.f32 v30, v14;
	v28 =	vadd.f32 v22, v10;
	[tilespmem:s3+$0x0] =	vst v29  }
0x2ee: {  	v27 =	vmul.f32 v30, v12;
	v29 =	vmov s0;
	s0 =	sadd.s32 $0x1, s0;
	v22 =	vmul.f32 v30, v11;
	s3 =	sadd.s32 $0x80, s3;
	[tilespmem:s2+$0x10] =	vst v31  }
0x2ef: {  	v19 =	vperm.xlane v19, v29;
	v23 =	vadd.f32 v23, v9;
	[tilespmem:s3+$0x30] =	vst v28  }
0x2f0: {  	v26 =	vadd.f32 v26, v8;
	[tilespmem:s2+$0x20] =	vst v20  }
0x2f1: {  	v56 =	vadd.f32 v25, v6;
	v19 =	vcvt.s32.f32 v19;
	[tilespmem:s3+$0xFFFFFFC0] =	vst v23  }
0x2f2: {  	v20 =	vadd.f32 v24, v7;
	[tilespmem:s3+$0xFFFFFFD0] =	vst v26  }
0x2f3: {  	v21 =	vadd.f32 v21, v4;
	[tilespmem:s3+$0xFFFFFFF0] =	vst v56;
	v57 =	vmul.f32 v19, v18  }
0x2f4: {  	[tilespmem:s3+$0xFFFFFFE0] =	vst v20;
	v20 =	vadd.f32 v27, v5;
	v58 =	vmul.f32 v19, v17  }
0x2f5: {  	[tilespmem:s3+$0x0] =	vst v21;
	v60 =	vmul.f32 v19, v16;
	v24 =	vadd.f32 v57, v10  }
0x2f6: {  	s0 =	sadd.s32 $0x80, s3;
	[tilespmem:s3+$0x10] =	vst v20;
	v23 =	vadd.f32 v58, v9  }
0x2f7: {  	v59 =	vadd.f32 v22, v3;
	v20 =	vmul.f32 v19, v15;
	v22 =	vadd.f32 v60, v8;
	[tilespmem:s0+$0x30] =	vst v24  }
0x2f8: {  	v61 =	vmul.f32 v19, v14;
	[tilespmem:s0+$0xFFFFFFC0] =	vst v23  }
0x2f9: {  	s26 =	sadd.s32 $0x1, s26;
	v62 =	vmul.f32 v19, v13;
	v20 =	vadd.f32 v20, v7;
	[tilespmem:s0+$0xFFFFFFD0] =	vst v22  }
0x2fa: {  	p0 =	sne.s32 s26, $0x8;
	v63 =	vmul.f32 v19, v12;
	v19 =	vmul.f32 v19, v11;
	v24 =	vadd.f32 v61, v6;
	[tilespmem:s3+$0x20] =	vst v59  }
.Ltmp8:
0x2fb: {  	v21 =	vadd.f32 v62, v4;
	[tilespmem:s0+$0xFFFFFFE0] =	vst v20;
	(pc) =	sbr.rel @p0 .LBB2_16-.Ltmp8, $4  }
0x2fc: {  	v19 =	vadd.f32 v19, v3;
	[tilespmem:s0+$0xFFFFFFF0] =	vst v24  }
0x2fd: {  	v20 =	vadd.f32 v63, v5;
	[tilespmem:s0+$0x0] =	vst v21  }
0x2fe: {  	[tilespmem:s0+$0x20] =	vst v19  }
0x2ff: {  	s25 =	sadd.s32 $0x800, s25;
	[tilespmem:s0+$0x10] =	vst v20  }
0x300: {  	_ =	swait.ge [sflag:s16], $0x4000  }
0x301: {  	[sflag:s16] =	ssyncset.done $0x0  }
0x302: {  	[sflag:s16] =	ssyncadd.s32 $0xFFFFC000  }
0x303: {  	_ =	swait.ge [sflag:s16], $0x4000  }
0x304: {  	[sflag:s16] =	ssyncset.done $0x0  }
0x305: {  	s0 =	simm.s32 $0x0;
	s2 =	rddreg [dreg:$0xc];
	[sflag:s16] =	ssyncadd.s32 $0xFFFFC000  }
0x306: {  	[hbm4b:s2+s0] =	stream.linear.scatter [tilespmem:s17], [sflag:$0x4], $0x4000, $0x38;
	[tilespmem:$0x1F780] =	vst v63  }
0x307: {  	s26 =	rddreg [dreg:$0xd]  }
0x308: {  	[hbm4b:s26+s0] =	stream.linear.scatter [tilespmem:s31], [sflag:$0x4], $0x8000, $0x38;
	[tilespmem:$0x1F780] =	vst v63  }
0x309: {  	_ =	swait.ge [sflag:s8], $0x4000  }
0x30a: {  	[sflag:s8] =	ssyncset.done $0x0  }
0x30b: {  	[sflag:s8] =	ssyncadd.s32 $0xFFFFC000  }
0x30c: {  	_ =	swait.ge [sflag:s8], $0x8000  }
0x30d: {  	[sflag:s8] =	ssyncset.done $0x0  }
0x30e: {  	[sflag:s8] =	ssyncadd.s32 $0xFFFF8000  }
0x30f: {  	_ =	swait.ge [sflag:s18], $0x4000  }
0x310: {  	[sflag:s18] =	ssyncset.done $0x0  }
0x311: {  	[sflag:s18] =	ssyncadd.s32 $0xFFFFC000  }
0x312: {  	_ =	swait.ge [sflag:s18], $0x8000  }
0x313: {  	[sflag:s18] =	ssyncset.done $0x0  }
0x314: {  	[sflag:s18] =	ssyncadd.s32 $0xFFFF8000  }
0x315: {  	v19 =	vld [tilespmem:$0x2700];
	_ =	sdelay $0x4  }
0x316: {  	v20 =	vperm.xlane v19, v0;
	_ =	sdelay $0x1  }
0x317: {  	v19 =	vperm.xlane v19, v2;
	v20 =	vadd.s32 v1, v20;
	_ =	sdelay $0x1  }
0x318: {  	v19 =	vadd.s32 v1, v19;
	_ =	sdelay $0x2  }
0x319: {  	[tilespmem:s22], [sflag:$0x1] =	stream.indirect_vreg.gather [hbm4b:s1+s0], $0x80, v20, vm0, $0xb8;
	[tilespmem:$0x1F780] =	vst v63  }
0x31a: {  	s28 =	simm.s32 $0xBF80  }
0x31b: {  	[tilespmem:s28], [sflag:$0x1] =	stream.indirect_vreg.gather [hbm4b:s1+s0], $0x80, v19, vm0, $0xb8;
	[tilespmem:$0x1F780] =	vst v63  }
0x31c: {  	v19 =	vld [tilespmem:$0x4E80];
	_ =	sdelay $0x4  }
0x31d: {  	v20 =	vperm.xlane v19, v0;
	_ =	sdelay $0x1  }
0x31e: {  	v19 =	vperm.xlane v19, v2;
	v20 =	vadd.s32 v1, v20;
	_ =	sdelay $0x1  }
0x31f: {  	v19 =	vadd.s32 v1, v19;
	_ =	sdelay $0x2  }
0x320: {  	[tilespmem:s10], [sflag:$0x1] =	stream.indirect_vreg.gather [hbm4b:s1+s0], $0x80, v20, vm0, $0xb8;
	[tilespmem:$0x1F780] =	vst v63  }
0x321: {  	_ = 	snop  }
0x322: {  	[tilespmem:s11], [sflag:$0x1] =	stream.indirect_vreg.gather [hbm4b:s1+s0], $0x80, v19, vm0, $0xb8;
	[tilespmem:$0x1F780] =	vst v63  }
0x323: {  	v19 =	vld [tilespmem:$0x7600];
	_ =	sdelay $0x3  }
0x324: {  	v20 =	vmov s0  }
0x325: {  	v20 =	vperm.xlane v19, v20;
	_ =	sdelay $0x1  }
0x326: {  	v20 =	vcvt.s32.f32 v20;
	_ =	sdelay $0x1  }
0x327: {  	s29 =	simm.s32 $0x1;
	v21 =	vmul.f32 v20, v18  }
0x328: {  	v24 =	vmov s29;
	v22 =	vmul.f32 v20, v17  }
0x329: {  	v24 =	vperm.xlane v19, v24;
	v23 =	vmul.f32 v20, v16;
	v21 =	vadd.f32 v21, v10  }
0x32a: {  	s24 =	simm.s32 $0x77C0;
	v25 =	vmul.f32 v20, v15;
	v22 =	vadd.f32 v22, v9  }
0x32b: {  	s30 =	simm.s32 $0x2;
	v30 =	vcvt.s32.f32 v24;
	v27 =	vmul.f32 v20, v13;
	v23 =	vadd.f32 v23, v8;
	[tilespmem:s24+$0x30] =	vst v21  }
0x32c: {  	v29 =	vmov s30;
	v26 =	vmul.f32 v20, v14;
	v25 =	vadd.f32 v25, v7;
	[tilespmem:s24+$0xFFFFFFC0] =	vst v22  }
0x32d: {  	v28 =	vmul.f32 v30, v18;
	v27 =	vadd.f32 v27, v4;
	v21 =	vmul.f32 v20, v12;
	[tilespmem:s24+$0xFFFFFFD0] =	vst v23  }
0x32e: {  	v24 =	vmul.f32 v30, v15;
	v20 =	vmul.f32 v20, v11;
	v22 =	vadd.f32 v26, v6;
	[tilespmem:s24+$0xFFFFFFE0] =	vst v25  }
0x32f: {  	v23 =	vmul.f32 v30, v17;
	v26 =	vmul.f32 v30, v16;
	[tilespmem:s24+$0x0] =	vst v27;
	v31 =	vadd.f32 v21, v5  }
0x330: {  	v28 =	vadd.f32 v28, v10;
	v25 =	vmul.f32 v30, v14;
	v27 =	vmul.f32 v30, v12;
	[tilespmem:s24+$0xFFFFFFF0] =	vst v22  }
0x331: {  	s3 =	simm.s32 $0x7840;
	s0 =	simm.s32 $0x3;
	v20 =	vadd.f32 v20, v3;
	v21 =	vmul.f32 v30, v13;
	v22 =	vmul.f32 v30, v11;
	[tilespmem:s24+$0x10] =	vst v31  }
.LBB2_20:
0x332: {  	p0 =	sne.s32 s0, $0xF;
	v29 =	vperm.xlane v19, v29;
	v23 =	vadd.f32 v23, v9;
	v26 =	vadd.f32 v26, v8;
	[tilespmem:s3+$0x30] =	vst v28  }
0x333: {  	v24 =	vadd.f32 v24, v7;
	v25 =	vadd.f32 v25, v6;
	[tilespmem:s24+$0x20] =	vst v20;
	s24 =	smov.u32 s3  }
0x334: {  	v31 =	vadd.f32 v27, v5;
	v30 =	vcvt.s32.f32 v29;
	[tilespmem:s3+$0xFFFFFFC0] =	vst v23;
	v29 =	vadd.f32 v21, v4  }
.Ltmp9:
0x335: {  	v20 =	vadd.f32 v22, v3;
	[tilespmem:s3+$0xFFFFFFD0] =	vst v26;
	(pc) =	sbr.rel @p0 .LBB2_20-.Ltmp9, $4  }
0x336: {  	v23 =	vmul.f32 v30, v17;
	v22 =	vmul.f32 v30, v18;
	[tilespmem:s3+$0xFFFFFFE0] =	vst v24  }
0x337: {  	v26 =	vmul.f32 v30, v16;
	v24 =	vmul.f32 v30, v15;
	[tilespmem:s3+$0xFFFFFFF0] =	vst v25  }
0x338: {  	v21 =	vmul.f32 v30, v13;
	v25 =	vmul.f32 v30, v14;
	v28 =	vadd.f32 v22, v10;
	[tilespmem:s3+$0x0] =	vst v29  }
0x339: {  	v27 =	vmul.f32 v30, v12;
	v29 =	vmov s0;
	s0 =	sadd.s32 $0x1, s0;
	v22 =	vmul.f32 v30, v11;
	s3 =	sadd.s32 $0x80, s3;
	[tilespmem:s24+$0x10] =	vst v31  }
0x33a: {  	v19 =	vperm.xlane v19, v29;
	v23 =	vadd.f32 v23, v9;
	[tilespmem:s3+$0x30] =	vst v28  }
0x33b: {  	v26 =	vadd.f32 v26, v8;
	[tilespmem:s24+$0x20] =	vst v20  }
0x33c: {  	v51 =	vadd.f32 v24, v7;
	v19 =	vcvt.s32.f32 v19;
	[tilespmem:s3+$0xFFFFFFC0] =	vst v23  }
0x33d: {  	v52 =	vadd.f32 v25, v6;
	[tilespmem:s3+$0xFFFFFFD0] =	vst v26  }
0x33e: {  	v21 =	vadd.f32 v21, v4;
	[tilespmem:s3+$0xFFFFFFE0] =	vst v51;
	v18 =	vmul.f32 v19, v18  }
0x33f: {  	v53 =	vadd.f32 v27, v5;
	[tilespmem:s3+$0xFFFFFFF0] =	vst v52;
	v17 =	vmul.f32 v19, v17  }
0x340: {  	[tilespmem:s3+$0x0] =	vst v21;
	v16 =	vmul.f32 v19, v16;
	v10 =	vadd.f32 v18, v10  }
0x341: {  	s0 =	sadd.s32 $0x80, s3;
	[tilespmem:s3+$0x10] =	vst v53;
	v15 =	vmul.f32 v19, v15;
	v55 =	vadd.f32 v17, v9  }
0x342: {  	v57 =	vadd.f32 v16, v8;
	[tilespmem:s0+$0x30] =	vst v10  }
0x343: {  	v56 =	vmul.f32 v19, v14;
	v58 =	vadd.f32 v15, v7;
	[tilespmem:s0+$0xFFFFFFC0] =	vst v55  }
0x344: {  	v54 =	vadd.f32 v22, v3;
	v13 =	vmul.f32 v19, v13;
	[tilespmem:s0+$0xFFFFFFD0] =	vst v57  }
0x345: {  	v59 =	vmul.f32 v19, v12;
	v60 =	vadd.f32 v56, v6;
	[tilespmem:s0+$0xFFFFFFE0] =	vst v58  }
0x346: {  	v61 =	vmul.f32 v19, v11;
	v62 =	vadd.f32 v13, v4;
	[tilespmem:s3+$0x20] =	vst v54  }
0x347: {  	v63 =	vadd.f32 v59, v5;
	[tilespmem:s0+$0xFFFFFFF0] =	vst v60  }
0x348: {  	v3 =	vadd.f32 v61, v3;
	[tilespmem:s0+$0x0] =	vst v62  }
0x349: {  	[tilespmem:s0+$0x10] =	vst v63  }
0x34a: {  	[tilespmem:s0+$0x20] =	vst v3  }
0x34b: {  	_ =	swait.ge [sflag:s23], $0x800  }
0x34c: {  	[sflag:s23] =	ssyncset.done $0x0  }
0x34d: {  	[sflag:s23] =	ssyncadd.s32 $0xFFFFF800  }
0x34e: {  	_ =	swait.ge [sflag:s23], $0x800  }
0x34f: {  	[sflag:s23] =	ssyncset.done $0x0  }
0x350: {  	s2 =	simm.s32 $0x5;
	s26 =	rddreg [dreg:$0xe];
	[sflag:s23] =	ssyncadd.s32 $0xFFFFF800  }
0x351: {  	[hbm4b:s26+s7] =	stream.linear.scatter [tilespmem:s15], [sflag:$0x5], $0x800, $0x38;
	[tilespmem:$0x1F780] =	vst v63  }
0x352: {  	_ =	swait.ge [sflag:s2], $0x800  }
0x353: {  	[sflag:s2] =	ssyncset.done $0x0  }
0x354: {  	s28 =	rddreg [dreg:$0xf];
	[sflag:s2] =	ssyncadd.s32 $0xFFFFF800  }
0x355: {  	[hbm4b:s28+s7] =	stream.linear.scatter [tilespmem:s22], [sflag:$0x5], $0x1000, $0x38;
	[tilespmem:$0x1F780] =	vst v63  }
0x356: {  	_ =	swait.ge [sflag:s2], $0x1000  }
0x357: {  	s29 =	rddreg [dreg:$0x11]  }
0x358: {  	s30 =	rddreg [dreg:$0x10];
	s3 =	sadd.s32 $0x1, s29  }
0x359: {  	p0 =	sne.s32 s3, s30  }
.Ltmp10:
0x35a: {  	_ = 	snop;
	(pc) =	sbr.rel @p0 .LBB2_1-.Ltmp10, $3  }
0x35b: {  	_ =	sdelay $0x1  }
0x35c: {  	[sflag:s2] =	ssyncset.done $0x0  }
0x35d: {  	[sflag:s2] =	ssyncadd.s32 $0xFFFFF000  }
0x35e: {  	_ =	sfence.sel $0x180000  }
0x35f: {  	[bflag:$0x0] =	sbarrier.arrive $0xFFFF  }
0x360: {  	_ =	strace $0x90000047  }
0x361: {  	s0 =	stileid.u32;
	[bflag:$0x2] =	sbarrier.arrive $0xFFFF  }
0x362: {  	p0 =	sne.s32 s0, $0x0;
	s0 =	rddreg [dreg:$0x6]  }
0x363: {  	s0 =	sadd.s32 @!p0 $0x100000, s0  }
0x364: {  	[sflag:s0] =	ssyncadd.tile.s32 @!p0 $0x1;
	_ =	shalt  }
.Lfunc_end2:
_tile_overlayer_lowered:
.L_overlay_start_2:
0x365: {  	(tag) =	ssettag $0x2  }
0x366: {  	s0 =	rddreg [dreg:$0x0];
	s2 =	stileid.u32  }
0x367: {  	s1 =	rddreg [dreg:$0x1];
	p0 =	sne.s32 s2, $0x0  }
0x368: {  	s3 =	rddreg [dreg:$0x2];
	[bflag:$0x3] =	sbarrier.arrive $0xFFFF;
	s2 =	simm.s32 @!p0 $0x1C05  }
0x369: {  	[timem:s3], [sflag:s2] =	dma.local @!p0 [hbm:s0], s1  }
0x36a: {  	s0 =	simm.s32 @!p0 $0x5  }
0x36b: {  	_ =	swait.ge @!p0 [sflag:s0], s1  }
0x36c: {  	s1 =	ssub.s32 @!p0 $0x0, s1;
	[sflag:s0] =	ssyncset.done @!p0 $0x0  }
0x36d: {  	[sflag:s0] =	ssyncadd.s32 @!p0 s1  }
0x36e: {  	[bflag:$0x3] =	sbarrier.arrive $0xFFFF  }
0x36f: {  	_ =	shalt  }

</sc_bundles>
